<compile_context>
chip_gen: v7x
topology: tpu7x:2x2x1
jax: 0.10.2.dev20260603
libtpu: 0.0.44.dev20260713+nightly
codegen_flags: <defaults>
</compile_context>

<pallas_src>
import jax
import jax.numpy as jnp
import numpy as np
from jax import lax
from jax.experimental import pallas as pl
from jax.experimental.pallas import tpu as pltpu
from jax.experimental.pallas import tpu_sc as plsc

_B = 4
_N_PER = 20000
_N = _B * _N_PER
_STRIDE = 4
_NW = 32
_WPB = _NW // _B
_CHUNK = 2512
_LAST = _N_PER - (_WPB - 1) * _CHUNK
_VEC = _CHUNK // 16
_VEC_LAST = _LAST // 16

_GRID_SIZE = np.array([1408.0, 1600.0, 40.0], dtype=np.float32)
_PC_RANGE = np.array([0.0, -40.0, -3.0, 70.4, 40.0, 1.0], dtype=np.float32)
_VS = ((_PC_RANGE[3:] - _PC_RANGE[:3]) / _GRID_SIZE * _STRIDE).astype(np.float32)
_PCMIN = _PC_RANGE[:3].astype(np.float32)


def _bf_np(v):
    import ml_dtypes
    return float(np.asarray(v, np.float32).astype(ml_dtypes.bfloat16).astype(np.float32))


_VS0BF, _VS1BF, _VS2BF = (_bf_np(_VS[k]) for k in range(3))
_PC0BF, _PC1BF, _PC2BF = (_bf_np(_PCMIN[k]) for k in range(3))


def _sc_body(vox_hbm, par_hbm, grid_hbm, dep_hbm, voxo_hbm, pm_hbm,
             vox_v, par_v, grid_v, dep_v, voxo_v, pm_v):
    cid = lax.axis_index("c")
    sid = lax.axis_index("s")
    wid = cid * 16 + sid
    b = wid // _WPB
    j = wid % _WPB
    start = b * _N_PER + j * _CHUNK

    pltpu.sync_copy(vox_hbm.at[pl.ds(start * 4, _CHUNK * 4)], vox_v)
    pltpu.sync_copy(par_hbm.at[pl.ds(b * 512, 512)], par_v)

    lane = lax.iota(jnp.int32, 16)

    def bc(k):
        return par_v[pl.ds(k * 16, 16)]

    m = [bc(k) for k in range(16)]
    p = [bc(16 + k) for k in range(12)]
    imh = bc(28)
    imw = bc(29)
    w1 = ((imw.astype(jnp.int32) // _STRIDE) - 1).astype(jnp.float32)
    h1 = ((imh.astype(jnp.int32) // _STRIDE) - 1).astype(jnp.float32)

    def cst(v):
        return jnp.full((16,), v, jnp.float32)

    vs0, vs1, vs2 = cst(_VS0BF), cst(_VS1BF), cst(_VS2BF)
    pc0, pc1, pc2 = cst(_PC0BF), cst(_PC1BF), cst(_PC2BF)
    eps = cst(1e-8)
    quarter = cst(0.25)
    one = cst(1.0)

    def bfr(x):
        u = lax.bitcast_convert_type(x, jnp.uint32)
        lsb = (u >> jnp.uint32(16)) & jnp.uint32(1)
        u2 = (u + jnp.uint32(32767) + lsb) & jnp.uint32(0xFFFF0000)
        return lax.bitcast_convert_type(u2, jnp.float32)

    def two_sum(a, b):
        s = a + b
        ap = s - b
        bp = s - ap
        return s, (a - ap) + (b - bp)

    def dot4(t0, t1, t2, t3):
        s1, e1 = two_sum(t0, t1)
        s2, e2 = two_sum(s1, t2)
        s3, e3 = two_sum(s2, t3)
        return s3 + ((e1 + e2) + e3)

    mb = [bfr(v) for v in m]
    pb = [bfr(v) for v in p]

    @plsc.parallel_loop(0, _VEC, unroll=4)
    def body(i):
        base = i * 64
        zi = plsc.load_gather(vox_v, [base + lane * 4 + 1])
        yi = plsc.load_gather(vox_v, [base + lane * 4 + 2])
        xi = plsc.load_gather(vox_v, [base + lane * 4 + 3])
        xf = bfr(xi.astype(jnp.float32))
        yf = bfr(yi.astype(jnp.float32))
        zf = bfr(zi.astype(jnp.float32))
        px = bfr(xf * vs0 + pc0)
        py = bfr(yf * vs1 + pc1)
        pz = bfr(zf * vs2 + pc2)
        c0 = dot4(px * mb[0], py * mb[1], pz * mb[2], mb[3])
        c1 = dot4(px * mb[4], py * mb[5], pz * mb[6], mb[7])
        c2 = dot4(px * mb[8], py * mb[9], pz * mb[10], mb[11])
        cw = dot4(px * mb[12], py * mb[13], pz * mb[14], mb[15])
        sw = jnp.where(jnp.abs(cw) > eps, cw, eps)
        g0 = bfr(c0 / sw)
        g1 = bfr(c1 / sw)
        g2 = bfr(c2 / sw)
        t0 = dot4(g0 * pb[0], g1 * pb[1], g2 * pb[2], pb[3])
        t1 = dot4(g0 * pb[4], g1 * pb[5], g2 * pb[6], pb[7])
        t2 = dot4(g0 * pb[8], g1 * pb[9], g2 * pb[10], pb[11])
        den = jnp.where(jnp.abs(t2) > eps, t2, eps)
        v0 = (t0 / den) * quarter
        v1 = (t1 / den) * quarter
        depth = t2 - p[11]
        pm = (v0 >= one) & (v0 < w1) & (v1 >= one) & (v1 < h1)
        gx = jnp.clip(v0, 0.0, 100000.0).astype(jnp.int32)
        gy = jnp.clip(v1, 0.0, 100000.0).astype(jnp.int32)
        zero_i = jnp.zeros((16,), jnp.int32)
        gx = jnp.where(pm, gx, zero_i)
        gy = jnp.where(pm, gy, zero_i)
        d_out = jnp.where(pm, depth, jnp.zeros((16,), jnp.float32))
        vx = jnp.where(pm, xi, zero_i)
        vy = jnp.where(pm, yi, zero_i)
        vz = jnp.where(pm, zi, zero_i)
        pmi = jnp.where(pm, jnp.ones((16,), jnp.int32), zero_i)
        plsc.store_scatter(grid_v, [i * 32 + lane * 2], gx)
        plsc.store_scatter(grid_v, [i * 32 + lane * 2 + 1], gy)
        plsc.store_scatter(voxo_v, [i * 48 + lane * 3], vx)
        plsc.store_scatter(voxo_v, [i * 48 + lane * 3 + 1], vy)
        plsc.store_scatter(voxo_v, [i * 48 + lane * 3 + 2], vz)
        dep_v[pl.ds(i * 16, 16)] = d_out
        pm_v[pl.ds(i * 16, 16)] = pmi

    @pl.when(j < _WPB - 1)
    def _():
        pltpu.sync_copy(grid_v, grid_hbm.at[pl.ds(start * 2, _CHUNK * 2)])
        pltpu.sync_copy(voxo_v, voxo_hbm.at[pl.ds(start * 3, _CHUNK * 3)])
        pltpu.sync_copy(dep_v, dep_hbm.at[pl.ds(start, _CHUNK)])
        pltpu.sync_copy(pm_v, pm_hbm.at[pl.ds(start, _CHUNK)])

    @pl.when(j == _WPB - 1)
    def _():
        pltpu.sync_copy(grid_v.at[pl.ds(0, _LAST * 2)],
                        grid_hbm.at[pl.ds(start * 2, _LAST * 2)])
        pltpu.sync_copy(voxo_v.at[pl.ds(0, _LAST * 3)],
                        voxo_hbm.at[pl.ds(start * 3, _LAST * 3)])
        pltpu.sync_copy(dep_v.at[pl.ds(0, _LAST)],
                        dep_hbm.at[pl.ds(start, _LAST)])
        pltpu.sync_copy(pm_v.at[pl.ds(0, _LAST)],
                        pm_hbm.at[pl.ds(start, _LAST)])


_sc_call = pl.kernel(
    _sc_body,
    out_type=(
        jax.ShapeDtypeStruct((_N * 2,), jnp.int32),
        jax.ShapeDtypeStruct((_N,), jnp.float32),
        jax.ShapeDtypeStruct((_N * 3,), jnp.int32),
        jax.ShapeDtypeStruct((_N,), jnp.int32),
    ),
    mesh=plsc.VectorSubcoreMesh(core_axis_name="c", subcore_axis_name="s"),
    compiler_params=pltpu.CompilerParams(needs_layout_passes=False,
                                         skip_device_barrier=True),
    scratch_types=[
        pltpu.VMEM((_CHUNK * 4,), jnp.int32),
        pltpu.VMEM((512,), jnp.float32),
        pltpu.VMEM((_CHUNK * 2,), jnp.int32),
        pltpu.VMEM((_CHUNK,), jnp.float32),
        pltpu.VMEM((_CHUNK * 3,), jnp.int32),
        pltpu.VMEM((_CHUNK,), jnp.int32),
    ],
)


def kernel(voxel_coords, trans_lidar_to_cam, trans_cam_to_img, image_shape):
    vox_flat = jnp.pad(voxel_coords.astype(jnp.int32).reshape(-1), (0, 512))
    params = jnp.concatenate(
        [trans_lidar_to_cam.astype(jnp.float32).reshape(_B, 16),
         trans_cam_to_img.astype(jnp.float32).reshape(_B, 12),
         image_shape.astype(jnp.float32),
         jnp.zeros((_B, 2), jnp.float32)],
        axis=1)
    params = jnp.broadcast_to(params[:, :, None], (_B, 32, 16)).reshape(-1)
    grid_f, dep_f, voxo_f, pm_f = _sc_call(vox_flat, params)
    image_grid = grid_f.reshape(_B, _N_PER, 2).astype(jnp.int64)
    image_depths = dep_f.reshape(_B, _N_PER)
    batch_voxel = voxo_f.reshape(_B, _N_PER, 3).astype(jnp.int64)
    point_mask = pm_f.reshape(_B, _N_PER).astype(jnp.bool_)
    return image_grid, image_depths, batch_voxel, point_mask

# --- scband reference (transcript-rebuilt; emitter-appended) ---
"""Pipeline reference for scband-point2-image-projection-48223892799594 (READ-ONLY COPY).

The authoritative reference and input builder live on the scoring server;
editing this copy changes nothing except your own understanding.
"""

import jax, jax.numpy as jnp
import numpy as np

B = 4
N_PER = 20000
N = B * N_PER
STRIDE = 4
GRID_SIZE = np.array([1408.0, 1600.0, 40.0], dtype=np.float32)
PC_RANGE = np.array([0.0, -40.0, -3.0, 70.4, 40.0, 1.0], dtype=np.float32)


def _grid_to_lidar():
    pc_min = PC_RANGE[:3]
    pc_max = PC_RANGE[3:]
    vs = (pc_max - pc_min) / GRID_SIZE * STRIDE
    V_G = np.array([[vs[0], 0, 0, pc_min[0]],
                    [0, vs[1], 0, pc_min[1]],
                    [0, 0, vs[2], pc_min[2]],
                    [0, 0, 0, 1.0]], dtype=np.float32)
    return jnp.asarray(V_G)


def _to_h(p):
    return jnp.concatenate([p, jnp.ones(p.shape[:-1] + (1,), p.dtype)], axis=-1)


def transform_points(trans_01, points_1):
    # kornia.geometry.transform_points: homogenize, matmul with trans^T, dehomogenize
    ph = _to_h(points_1)
    p0h = jnp.matmul(ph, jnp.swapaxes(trans_01, -1, -2))
    scale = p0h[..., -1:]
    safe = jnp.where(jnp.abs(scale) > 1e-8, scale, jnp.full_like(scale, 1e-8))
    return p0h[..., :-1] / safe


def project_to_image(project, points):
    # pcdet transform_utils.project_to_image
    ph = _to_h(points)[..., None]          # (B, N, 4, 1)
    proj = project[:, None]                 # (B, 1, 3, 4)
    pt = jnp.matmul(proj, ph)[..., 0]       # (B, N, 3)
    denom = pt[..., 2:3]
    denom = jnp.where(jnp.abs(denom) > 1e-8, denom, jnp.full_like(denom, 1e-8))
    img = pt[..., :2] / denom
    depth = pt[..., -1] - proj[..., 2, 3]
    return img, depth


def setup_inputs(seed: int = 0):
    key = jax.random.key(seed)
    k1, k2, k3, k4, k5 = jax.random.split(key, 5)
    b = jnp.repeat(jnp.arange(B), N_PER)
    z = jax.random.randint(k1, (N,), 0, 10)
    y = jax.random.randint(k2, (N,), 0, 400)
    x = jax.random.randint(k3, (N,), 0, 352)
    voxel_coords = jnp.stack([b, z, y, x], axis=-1).astype(jnp.int64)
    base_l2c = jnp.array([[0., -1., 0., 0.], [0., 0., -1., 0.3], [1., 0., 0., -0.1], [0., 0., 0., 1.]], dtype=jnp.float32)
    trans_lidar_to_cam = base_l2c[None] + 0.01 * jax.random.normal(k4, (B, 4, 4), dtype=jnp.float32)
    base_c2i = jnp.array([[700., 0., 620., 45.], [0., 700., 187., -0.3], [0., 0., 1., 0.005]], dtype=jnp.float32)
    trans_cam_to_img = base_c2i[None] + 0.01 * jax.random.normal(k5, (B, 3, 4), dtype=jnp.float32)
    image_shape = jnp.tile(jnp.array([[375, 1242]], dtype=jnp.int32), (B, 1))
    return {"voxel_coords": voxel_coords, "trans_lidar_to_cam": trans_lidar_to_cam,
            "trans_cam_to_img": trans_cam_to_img, "image_shape": image_shape}


def reference(voxel_coords, trans_lidar_to_cam, trans_cam_to_img, image_shape):
    V_G = _grid_to_lidar()
    vc = voxel_coords[:, jnp.array([0, 3, 2, 1])].astype(jnp.float32)  # (b, x, y, z)
    point_grid = transform_points(V_G[None], vc[:, 1:][None])[0]       # (N, 3) lidar coords
    batch_idx = voxel_coords[:, 0].astype(jnp.int32)
    counts = jnp.bincount(batch_idx, length=B)
    max_count = voxel_coords.shape[0] // B
    starts = jnp.concatenate([jnp.zeros((1,), counts.dtype), jnp.cumsum(counts)[:-1]])
    pos = jnp.arange(voxel_coords.shape[0]) - starts[batch_idx]  # assumes batch-sorted coords
    batch_voxel = jnp.zeros((B, max_count, 3), jnp.float32).at[batch_idx, pos].set(vc[:, 1:])
    point_inv = jnp.zeros((B, max_count, 3), jnp.float32).at[batch_idx, pos].set(point_grid)
    batch_mask = jnp.zeros((B, max_count), jnp.float32).at[batch_idx, pos].set(1.0)
    camera_grid = transform_points(trans_lidar_to_cam, point_inv)
    image_grid, image_depths = project_to_image(trans_cam_to_img, camera_grid)
    image_grid = jnp.floor(image_grid / STRIDE)  # torch float floor-div
    img_shape = image_shape // STRIDE
    pm = (image_grid[..., 0] > 0) & (image_grid[..., 0] < (img_shape[:, 1:2] - 1)) \
         & (image_grid[..., 1] > 0) & (image_grid[..., 1] < (img_shape[:, 0:1] - 1))
    pm = pm & (batch_mask > 0)
    image_grid = jnp.where(pm[..., None], image_grid, 0.0)
    image_depths = jnp.where(pm, image_depths, 0.0)
    batch_voxel = jnp.where(pm[..., None], batch_voxel, 0.0)
    return (image_grid.astype(jnp.int64), image_depths, batch_voxel.astype(jnp.int64), pm)

if __name__ == "__main__":
    import jax
    _d = setup_inputs()
    print(jax.jit(kernel)(*tuple(_d.values())))

</pallas_src>

<mosaic_0001>
#map = affine_map<(d0, d1) -> (0)>
module attributes {stable_mosaic.version = 14 : i64} {
  func.func @_sc_body(%arg0: i32, %arg1: i32, %arg2: memref<320512xi32, #tpu.memory_space<hbm>>, %arg3: memref<2048xf32, #tpu.memory_space<hbm>>, %arg4: memref<160000xi32, #tpu.memory_space<hbm>>, %arg5: memref<80000xf32, #tpu.memory_space<hbm>>, %arg6: memref<240000xi32, #tpu.memory_space<hbm>>, %arg7: memref<80000xi32, #tpu.memory_space<hbm>>, %arg8: memref<10048xi32, #tpu.memory_space<vmem>>, %arg9: memref<512xf32, #tpu.memory_space<vmem>>, %arg10: memref<5024xi32, #tpu.memory_space<vmem>>, %arg11: memref<2512xf32, #tpu.memory_space<vmem>>, %arg12: memref<7536xi32, #tpu.memory_space<vmem>>, %arg13: memref<2512xi32, #tpu.memory_space<vmem>>) attributes {dimension_semantics = [#tpu.dimension_semantics<core_parallel>, #tpu.dimension_semantics<subcore_parallel>], iteration_bounds = array<i64: 2, 16>, scalar_prefetch = 0 : i64, scratch_operands = 6 : i64, tpu.core_type = #tpu.core_type<sc_vector_subcore>, window_params = [{transform_indices = #map}, {transform_indices = #map}, {transform_indices = #map}, {transform_indices = #map}, {transform_indices = #map}, {transform_indices = #map}]} {
    %mul3A = arith.constant 16 : i32
    %mul3A_0 = arith.muli %arg0, %mul3A : i32
    %add3A = arith.addi %mul3A_0, %arg1 : i32
    %jit3A = arith.constant 8 : i32
    %div3A = arith.divsi %add3A, %jit3A : i32
    %sign3A = arith.constant 0 : i32
    %sign3A_1 = arith.cmpi sgt, %add3A, %sign3A : i32
    %sign3A_2 = arith.extui %sign3A_1 : i1 to i32
    %sign3A_3 = arith.constant 0 : i32
    %sign3A_4 = arith.cmpi slt, %add3A, %sign3A_3 : i32
    %sign3A_5 = arith.extui %sign3A_4 : i1 to i32
    %sign3A_6 = arith.subi %sign3A_2, %sign3A_5 : i32
    %sign3A_7 = arith.constant 0 : i32
    %sign3A_8 = arith.cmpi sgt, %jit3A, %sign3A_7 : i32
    %sign3A_9 = arith.extui %sign3A_8 : i1 to i32
    %sign3A_10 = arith.constant 0 : i32
    %sign3A_11 = arith.cmpi slt, %jit3A, %sign3A_10 : i32
    %sign3A_12 = arith.extui %sign3A_11 : i1 to i32
    %sign3A_13 = arith.subi %sign3A_9, %sign3A_12 : i32
    %ne3A = arith.cmpi ne, %sign3A_6, %sign3A_13 : i32
    %rem3A = arith.remsi %add3A, %jit3A : i32
    %ne3A_14 = arith.constant 0 : i32
    %ne3A_15 = arith.cmpi ne, %rem3A, %ne3A_14 : i32
    %and3A = arith.andi %ne3A, %ne3A_15 : i1
    %sub3A = arith.constant 1 : i32
    %sub3A_16 = arith.subi %div3A, %sub3A : i32
    %select_n3A = arith.select %and3A, %sub3A_16, %div3A : i32
    %jit3A_17 = arith.constant 8 : i32
    %eq3A = arith.constant 0 : i32
    %eq3A_18 = arith.cmpi eq, %jit3A_17, %eq3A : i32
    %jit3A_19 = arith.constant 1 : i32
    %select_n3A_20 = arith.select %eq3A_18, %jit3A_19, %jit3A_17 : i32
    %rem3A_21 = arith.remsi %add3A, %select_n3A_20 : i32
    %ne3A_22 = arith.constant 0 : i32
    %ne3A_23 = arith.cmpi ne, %rem3A_21, %ne3A_22 : i32
    %lt3A = arith.constant 0 : i32
    %lt3A_24 = arith.cmpi slt, %rem3A_21, %lt3A : i32
    %lt3A_25 = arith.constant 0 : i32
    %lt3A_26 = arith.cmpi slt, %select_n3A_20, %lt3A_25 : i32
    %ne3A_27 = arith.xori %lt3A_24, %lt3A_26 : i1
    %and3A_28 = arith.andi %ne3A_27, %ne3A_23 : i1
    %add3A_29 = arith.addi %rem3A_21, %select_n3A_20 : i32
    %select_n3A_30 = arith.select %and3A_28, %add3A_29, %rem3A_21 : i32
    %mul3A_31 = arith.constant 20000 : i32
    %mul3A_32 = arith.muli %select_n3A, %mul3A_31 : i32
    %mul3A_33 = arith.constant 2512 : i32
    %mul3A_34 = arith.muli %select_n3A_30, %mul3A_33 : i32
    %add3A_35 = arith.addi %mul3A_32, %mul3A_34 : i32
    %mul3A_36 = arith.constant 4 : i32
    %mul3A_37 = arith.muli %add3A_35, %mul3A_36 : i32
    "tpu.region"() ({
      %run_scoped3A = tpu.sem_alloc : memref<!tpu.dma_semaphore, #tpu.memory_space<semaphore_mem>>
      %dma_start3A = tpu.memref_slice %arg2[%mul3A_37] : memref<320512xi32, #tpu.memory_space<hbm>> -> memref<10048xi32, #tpu.memory_space<hbm>>
      %dma_start3A_616 = tpu.memref_slice %arg2[%mul3A_37] : memref<320512xi32, #tpu.memory_space<hbm>> -> memref<10048xi32, #tpu.memory_space<hbm>>
      tpu.enqueue_dma source(%dma_start3A_616 : memref<10048xi32, #tpu.memory_space<hbm>>) target(%arg8 : memref<10048xi32, #tpu.memory_space<vmem>>) target_semaphore(%run_scoped3A : memref<!tpu.dma_semaphore, #tpu.memory_space<semaphore_mem>>)
      %dma_wait3A = tpu.memref_slice %arg2[%mul3A_37] : memref<320512xi32, #tpu.memory_space<hbm>> -> memref<10048xi32, #tpu.memory_space<hbm>>
      %dma_wait3A_617 = tpu.memref_slice %arg2[%mul3A_37] : memref<320512xi32, #tpu.memory_space<hbm>> -> memref<10048xi32, #tpu.memory_space<hbm>>
      tpu.wait_dma2 semaphore(%run_scoped3A : memref<!tpu.dma_semaphore, #tpu.memory_space<semaphore_mem>>) src(%dma_wait3A_617 : memref<10048xi32, #tpu.memory_space<hbm>>) dst(%arg8 : memref<10048xi32, #tpu.memory_space<vmem>>)
      tpu.yield
    }) : () -> ()
    %mul3A_38 = arith.constant 512 : i32
    %mul3A_39 = arith.muli %select_n3A, %mul3A_38 : i32
    "tpu.region"() ({
      %run_scoped3A = tpu.sem_alloc : memref<!tpu.dma_semaphore, #tpu.memory_space<semaphore_mem>>
      %dma_start3A = tpu.memref_slice %arg3[%mul3A_39] : memref<2048xf32, #tpu.memory_space<hbm>> -> memref<512xf32, #tpu.memory_space<hbm>>
      %dma_start3A_616 = tpu.memref_slice %arg3[%mul3A_39] : memref<2048xf32, #tpu.memory_space<hbm>> -> memref<512xf32, #tpu.memory_space<hbm>>
      tpu.enqueue_dma source(%dma_start3A_616 : memref<512xf32, #tpu.memory_space<hbm>>) target(%arg9 : memref<512xf32, #tpu.memory_space<vmem>>) target_semaphore(%run_scoped3A : memref<!tpu.dma_semaphore, #tpu.memory_space<semaphore_mem>>)
      %dma_wait3A = tpu.memref_slice %arg3[%mul3A_39] : memref<2048xf32, #tpu.memory_space<hbm>> -> memref<512xf32, #tpu.memory_space<hbm>>
      %dma_wait3A_617 = tpu.memref_slice %arg3[%mul3A_39] : memref<2048xf32, #tpu.memory_space<hbm>> -> memref<512xf32, #tpu.memory_space<hbm>>
      tpu.wait_dma2 semaphore(%run_scoped3A : memref<!tpu.dma_semaphore, #tpu.memory_space<semaphore_mem>>) src(%dma_wait3A_617 : memref<512xf32, #tpu.memory_space<hbm>>) dst(%arg9 : memref<512xf32, #tpu.memory_space<vmem>>)
      tpu.yield
    }) : () -> ()
    %iota3A = tpu.iota {dimensions = array<i32: 0>} : vector<16xi32>
    %get3A = arith.constant 0 : index
    %get3A_40 = tpu.vector_load %arg9[%get3A] {strides = array<i32>} : memref<512xf32, #tpu.memory_space<vmem>>, vector<16xf32>,
    %get3A_41 = arith.constant 16 : index
    %get3A_42 = tpu.vector_load %arg9[%get3A_41] {strides = array<i32>} : memref<512xf32, #tpu.memory_space<vmem>>, vector<16xf32>,
    %get3A_43 = arith.constant 32 : index
    %get3A_44 = tpu.vector_load %arg9[%get3A_43] {strides = array<i32>} : memref<512xf32, #tpu.memory_space<vmem>>, vector<16xf32>,
    %get3A_45 = arith.constant 48 : index
    %get3A_46 = tpu.vector_load %arg9[%get3A_45] {strides = array<i32>} : memref<512xf32, #tpu.memory_space<vmem>>, vector<16xf32>,
    %get3A_47 = arith.constant 64 : index
    %get3A_48 = tpu.vector_load %arg9[%get3A_47] {strides = array<i32>} : memref<512xf32, #tpu.memory_space<vmem>>, vector<16xf32>,
    %get3A_49 = arith.constant 80 : index
    %get3A_50 = tpu.vector_load %arg9[%get3A_49] {strides = array<i32>} : memref<512xf32, #tpu.memory_space<vmem>>, vector<16xf32>,
    %get3A_51 = arith.constant 96 : index
    %get3A_52 = tpu.vector_load %arg9[%get3A_51] {strides = array<i32>} : memref<512xf32, #tpu.memory_space<vmem>>, vector<16xf32>,
    %get3A_53 = arith.constant 112 : index
    %get3A_54 = tpu.vector_load %arg9[%get3A_53] {strides = array<i32>} : memref<512xf32, #tpu.memory_space<vmem>>, vector<16xf32>,
    %get3A_55 = arith.constant 128 : index
    %get3A_56 = tpu.vector_load %arg9[%get3A_55] {strides = array<i32>} : memref<512xf32, #tpu.memory_space<vmem>>, vector<16xf32>,
    %get3A_57 = arith.constant 144 : index
    %get3A_58 = tpu.vector_load %arg9[%get3A_57] {strides = array<i32>} : memref<512xf32, #tpu.memory_space<vmem>>, vector<16xf32>,
    %get3A_59 = arith.constant 160 : index
    %get3A_60 = tpu.vector_load %arg9[%get3A_59] {strides = array<i32>} : memref<512xf32, #tpu.memory_space<vmem>>, vector<16xf32>,
    %get3A_61 = arith.constant 176 : index
    %get3A_62 = tpu.vector_load %arg9[%get3A_61] {strides = array<i32>} : memref<512xf32, #tpu.memory_space<vmem>>, vector<16xf32>,
    %get3A_63 = arith.constant 192 : index
    %get3A_64 = tpu.vector_load %arg9[%get3A_63] {strides = array<i32>} : memref<512xf32, #tpu.memory_space<vmem>>, vector<16xf32>,
    %get3A_65 = arith.constant 208 : index
    %get3A_66 = tpu.vector_load %arg9[%get3A_65] {strides = array<i32>} : memref<512xf32, #tpu.memory_space<vmem>>, vector<16xf32>,
    %get3A_67 = arith.constant 224 : index
    %get3A_68 = tpu.vector_load %arg9[%get3A_67] {strides = array<i32>} : memref<512xf32, #tpu.memory_space<vmem>>, vector<16xf32>,
    %get3A_69 = arith.constant 240 : index
    %get3A_70 = tpu.vector_load %arg9[%get3A_69] {strides = array<i32>} : memref<512xf32, #tpu.memory_space<vmem>>, vector<16xf32>,
    %get3A_71 = arith.constant 256 : index
    %get3A_72 = tpu.vector_load %arg9[%get3A_71] {strides = array<i32>} : memref<512xf32, #tpu.memory_space<vmem>>, vector<16xf32>,
    %get3A_73 = arith.constant 272 : index
    %get3A_74 = tpu.vector_load %arg9[%get3A_73] {strides = array<i32>} : memref<512xf32, #tpu.memory_space<vmem>>, vector<16xf32>,
    %get3A_75 = arith.constant 288 : index
    %get3A_76 = tpu.vector_load %arg9[%get3A_75] {strides = array<i32>} : memref<512xf32, #tpu.memory_space<vmem>>, vector<16xf32>,
    %get3A_77 = arith.constant 304 : index
    %get3A_78 = tpu.vector_load %arg9[%get3A_77] {strides = array<i32>} : memref<512xf32, #tpu.memory_space<vmem>>, vector<16xf32>,
    %get3A_79 = arith.constant 320 : index
    %get3A_80 = tpu.vector_load %arg9[%get3A_79] {strides = array<i32>} : memref<512xf32, #tpu.memory_space<vmem>>, vector<16xf32>,
    %get3A_81 = arith.constant 336 : index
    %get3A_82 = tpu.vector_load %arg9[%get3A_81] {strides = array<i32>} : memref<512xf32, #tpu.memory_space<vmem>>, vector<16xf32>,
    %get3A_83 = arith.constant 352 : index
    %get3A_84 = tpu.vector_load %arg9[%get3A_83] {strides = array<i32>} : memref<512xf32, #tpu.memory_space<vmem>>, vector<16xf32>,
    %get3A_85 = arith.constant 368 : index
    %get3A_86 = tpu.vector_load %arg9[%get3A_85] {strides = array<i32>} : memref<512xf32, #tpu.memory_space<vmem>>, vector<16xf32>,
    %get3A_87 = arith.constant 384 : index
    %get3A_88 = tpu.vector_load %arg9[%get3A_87] {strides = array<i32>} : memref<512xf32, #tpu.memory_space<vmem>>, vector<16xf32>,
    %get3A_89 = arith.constant 400 : index
    %get3A_90 = tpu.vector_load %arg9[%get3A_89] {strides = array<i32>} : memref<512xf32, #tpu.memory_space<vmem>>, vector<16xf32>,
    %get3A_91 = arith.constant 416 : index
    %get3A_92 = tpu.vector_load %arg9[%get3A_91] {strides = array<i32>} : memref<512xf32, #tpu.memory_space<vmem>>, vector<16xf32>,
    %get3A_93 = arith.constant 432 : index
    %get3A_94 = tpu.vector_load %arg9[%get3A_93] {strides = array<i32>} : memref<512xf32, #tpu.memory_space<vmem>>, vector<16xf32>,
    %get3A_95 = arith.constant 448 : index
    %get3A_96 = tpu.vector_load %arg9[%get3A_95] {strides = array<i32>} : memref<512xf32, #tpu.memory_space<vmem>>, vector<16xf32>,
    %get3A_97 = arith.constant 464 : index
    %get3A_98 = tpu.vector_load %arg9[%get3A_97] {strides = array<i32>} : memref<512xf32, #tpu.memory_space<vmem>>, vector<16xf32>,
    %convert_element_type3A = arith.fptosi %get3A_98 : vector<16xf32> to vector<16xi32>
    %jit3A_99 = arith.constant 4 : i32
    %div3A_100 = vector.broadcast %jit3A_99 : i32 to vector<16xi32>
    %div3A_101 = arith.divsi %convert_element_type3A, %div3A_100 : vector<16xi32>
    %sign3A_102 = arith.constant 0 : i32
    %sign3A_103 = vector.broadcast %sign3A_102 : i32 to vector<16xi32>
    %sign3A_104 = arith.cmpi sgt, %convert_element_type3A, %sign3A_103 : vector<16xi32>
    %sign3A_105 = arith.extui %sign3A_104 : vector<16xi1> to vector<16xi32>
    %sign3A_106 = arith.constant 0 : i32
    %sign3A_107 = vector.broadcast %sign3A_106 : i32 to vector<16xi32>
    %sign3A_108 = arith.cmpi slt, %convert_element_type3A, %sign3A_107 : vector<16xi32>
    %sign3A_109 = arith.extui %sign3A_108 : vector<16xi1> to vector<16xi32>
    %sign3A_110 = arith.subi %sign3A_105, %sign3A_109 : vector<16xi32>
    %sign3A_111 = arith.constant 0 : i32
    %sign3A_112 = arith.cmpi sgt, %jit3A_99, %sign3A_111 : i32
    %sign3A_113 = arith.extui %sign3A_112 : i1 to i32
    %sign3A_114 = arith.constant 0 : i32
    %sign3A_115 = arith.cmpi slt, %jit3A_99, %sign3A_114 : i32
    %sign3A_116 = arith.extui %sign3A_115 : i1 to i32
    %sign3A_117 = arith.subi %sign3A_113, %sign3A_116 : i32
    %ne3A_118 = vector.broadcast %sign3A_117 : i32 to vector<16xi32>
    %ne3A_119 = arith.cmpi ne, %sign3A_110, %ne3A_118 : vector<16xi32>
    %rem3A_120 = vector.broadcast %jit3A_99 : i32 to vector<16xi32>
    %rem3A_121 = arith.remsi %convert_element_type3A, %rem3A_120 : vector<16xi32>
    %ne3A_122 = arith.constant 0 : i32
    %ne3A_123 = vector.broadcast %ne3A_122 : i32 to vector<16xi32>
    %ne3A_124 = arith.cmpi ne, %rem3A_121, %ne3A_123 : vector<16xi32>
    %and3A_125 = arith.andi %ne3A_119, %ne3A_124 : vector<16xi1>
    %sub3A_126 = arith.constant 1 : i32
    %sub3A_127 = vector.broadcast %sub3A_126 : i32 to vector<16xi32>
    %sub3A_128 = arith.subi %div3A_101, %sub3A_127 : vector<16xi32>
    %select_n3A_129 = arith.select %and3A_125, %sub3A_128, %div3A_101 : vector<16xi1>, vector<16xi32>
    %sub3A_130 = arith.constant 1 : i32
    %sub3A_131 = vector.broadcast %sub3A_130 : i32 to vector<16xi32>
    %sub3A_132 = arith.subi %select_n3A_129, %sub3A_131 : vector<16xi32>
    %convert_element_type3A_133 = arith.sitofp %sub3A_132 : vector<16xi32> to vector<16xf32>
    %convert_element_type3A_134 = arith.fptosi %get3A_96 : vector<16xf32> to vector<16xi32>
    %jit3A_135 = arith.constant 4 : i32
    %div3A_136 = vector.broadcast %jit3A_135 : i32 to vector<16xi32>
    %div3A_137 = arith.divsi %convert_element_type3A_134, %div3A_136 : vector<16xi32>
    %sign3A_138 = arith.constant 0 : i32
    %sign3A_139 = vector.broadcast %sign3A_138 : i32 to vector<16xi32>
    %sign3A_140 = arith.cmpi sgt, %convert_element_type3A_134, %sign3A_139 : vector<16xi32>
    %sign3A_141 = arith.extui %sign3A_140 : vector<16xi1> to vector<16xi32>
    %sign3A_142 = arith.constant 0 : i32
    %sign3A_143 = vector.broadcast %sign3A_142 : i32 to vector<16xi32>
    %sign3A_144 = arith.cmpi slt, %convert_element_type3A_134, %sign3A_143 : vector<16xi32>
    %sign3A_145 = arith.extui %sign3A_144 : vector<16xi1> to vector<16xi32>
    %sign3A_146 = arith.subi %sign3A_141, %sign3A_145 : vector<16xi32>
    %sign3A_147 = arith.constant 0 : i32
    %sign3A_148 = arith.cmpi sgt, %jit3A_135, %sign3A_147 : i32
    %sign3A_149 = arith.extui %sign3A_148 : i1 to i32
    %sign3A_150 = arith.constant 0 : i32
    %sign3A_151 = arith.cmpi slt, %jit3A_135, %sign3A_150 : i32
    %sign3A_152 = arith.extui %sign3A_151 : i1 to i32
    %sign3A_153 = arith.subi %sign3A_149, %sign3A_152 : i32
    %ne3A_154 = vector.broadcast %sign3A_153 : i32 to vector<16xi32>
    %ne3A_155 = arith.cmpi ne, %sign3A_146, %ne3A_154 : vector<16xi32>
    %rem3A_156 = vector.broadcast %jit3A_135 : i32 to vector<16xi32>
    %rem3A_157 = arith.remsi %convert_element_type3A_134, %rem3A_156 : vector<16xi32>
    %ne3A_158 = arith.constant 0 : i32
    %ne3A_159 = vector.broadcast %ne3A_158 : i32 to vector<16xi32>
    %ne3A_160 = arith.cmpi ne, %rem3A_157, %ne3A_159 : vector<16xi32>
    %and3A_161 = arith.andi %ne3A_155, %ne3A_160 : vector<16xi1>
    %sub3A_162 = arith.constant 1 : i32
    %sub3A_163 = vector.broadcast %sub3A_162 : i32 to vector<16xi32>
    %sub3A_164 = arith.subi %div3A_137, %sub3A_163 : vector<16xi32>
    %select_n3A_165 = arith.select %and3A_161, %sub3A_164, %div3A_137 : vector<16xi1>, vector<16xi32>
    %sub3A_166 = arith.constant 1 : i32
    %sub3A_167 = vector.broadcast %sub3A_166 : i32 to vector<16xi32>
    %sub3A_168 = arith.subi %select_n3A_165, %sub3A_167 : vector<16xi32>
    %convert_element_type3A_169 = arith.sitofp %sub3A_168 : vector<16xi32> to vector<16xf32>
    %broadcast_in_dim3A = arith.constant 0.200195313 : f32
    %broadcast_in_dim3A_170 = vector.broadcast %broadcast_in_dim3A : f32 to vector<16xf32>
    %broadcast_in_dim3A_171 = arith.constant 0.200195313 : f32
    %broadcast_in_dim3A_172 = vector.broadcast %broadcast_in_dim3A_171 : f32 to vector<16xf32>
    %broadcast_in_dim3A_173 = arith.constant 0.400390625 : f32
    %broadcast_in_dim3A_174 = vector.broadcast %broadcast_in_dim3A_173 : f32 to vector<16xf32>
    %broadcast_in_dim3A_175 = arith.constant 0.000000e+00 : f32
    %broadcast_in_dim3A_176 = vector.broadcast %broadcast_in_dim3A_175 : f32 to vector<16xf32>
    %broadcast_in_dim3A_177 = arith.constant -4.000000e+01 : f32
    %broadcast_in_dim3A_178 = vector.broadcast %broadcast_in_dim3A_177 : f32 to vector<16xf32>
    %broadcast_in_dim3A_179 = arith.constant -3.000000e+00 : f32
    %broadcast_in_dim3A_180 = vector.broadcast %broadcast_in_dim3A_179 : f32 to vector<16xf32>
    %broadcast_in_dim3A_181 = arith.constant 9.99999993E-9 : f32
    %broadcast_in_dim3A_182 = vector.broadcast %broadcast_in_dim3A_181 : f32 to vector<16xf32>
    %broadcast_in_dim3A_183 = arith.constant 2.500000e-01 : f32
    %broadcast_in_dim3A_184 = vector.broadcast %broadcast_in_dim3A_183 : f32 to vector<16xf32>
    %broadcast_in_dim3A_185 = arith.constant 1.000000e+00 : f32
    %broadcast_in_dim3A_186 = vector.broadcast %broadcast_in_dim3A_185 : f32 to vector<16xf32>
    %bitcast_convert_type3A = tpu.bitcast %get3A_40 : vector<16xf32> -> vector<16xi32>
    %shift_right_logical3A = arith.constant 16 : i32
    %shift_right_logical3A_187 = vector.broadcast %shift_right_logical3A : i32 to vector<16xi32>
    %shift_right_logical3A_188 = arith.shrui %bitcast_convert_type3A, %shift_right_logical3A_187 : vector<16xi32>
    %and3A_189 = arith.constant 1 : i32
    %and3A_190 = vector.broadcast %and3A_189 : i32 to vector<16xi32>
    %and3A_191 = arith.andi %shift_right_logical3A_188, %and3A_190 : vector<16xi32>
    %add3A_192 = arith.constant 32767 : i32
    %add3A_193 = vector.broadcast %add3A_192 : i32 to vector<16xi32>
    %add3A_194 = arith.addi %bitcast_convert_type3A, %add3A_193 : vector<16xi32>
    %add3A_195 = arith.addi %add3A_194, %and3A_191 : vector<16xi32>
    %and3A_196 = arith.constant -65536 : i32
    %and3A_197 = vector.broadcast %and3A_196 : i32 to vector<16xi32>
    %and3A_198 = arith.andi %add3A_195, %and3A_197 : vector<16xi32>
    %bitcast_convert_type3A_199 = tpu.bitcast %and3A_198 : vector<16xi32> -> vector<16xf32>
    %bitcast_convert_type3A_200 = tpu.bitcast %get3A_42 : vector<16xf32> -> vector<16xi32>
    %shift_right_logical3A_201 = arith.constant 16 : i32
    %shift_right_logical3A_202 = vector.broadcast %shift_right_logical3A_201 : i32 to vector<16xi32>
    %shift_right_logical3A_203 = arith.shrui %bitcast_convert_type3A_200, %shift_right_logical3A_202 : vector<16xi32>
    %and3A_204 = arith.constant 1 : i32
    %and3A_205 = vector.broadcast %and3A_204 : i32 to vector<16xi32>
    %and3A_206 = arith.andi %shift_right_logical3A_203, %and3A_205 : vector<16xi32>
    %add3A_207 = arith.constant 32767 : i32
    %add3A_208 = vector.broadcast %add3A_207 : i32 to vector<16xi32>
    %add3A_209 = arith.addi %bitcast_convert_type3A_200, %add3A_208 : vector<16xi32>
    %add3A_210 = arith.addi %add3A_209, %and3A_206 : vector<16xi32>
    %and3A_211 = arith.constant -65536 : i32
    %and3A_212 = vector.broadcast %and3A_211 : i32 to vector<16xi32>
    %and3A_213 = arith.andi %add3A_210, %and3A_212 : vector<16xi32>
    %bitcast_convert_type3A_214 = tpu.bitcast %and3A_213 : vector<16xi32> -> vector<16xf32>
    %bitcast_convert_type3A_215 = tpu.bitcast %get3A_44 : vector<16xf32> -> vector<16xi32>
    %shift_right_logical3A_216 = arith.constant 16 : i32
    %shift_right_logical3A_217 = vector.broadcast %shift_right_logical3A_216 : i32 to vector<16xi32>
    %shift_right_logical3A_218 = arith.shrui %bitcast_convert_type3A_215, %shift_right_logical3A_217 : vector<16xi32>
    %and3A_219 = arith.constant 1 : i32
    %and3A_220 = vector.broadcast %and3A_219 : i32 to vector<16xi32>
    %and3A_221 = arith.andi %shift_right_logical3A_218, %and3A_220 : vector<16xi32>
    %add3A_222 = arith.constant 32767 : i32
    %add3A_223 = vector.broadcast %add3A_222 : i32 to vector<16xi32>
    %add3A_224 = arith.addi %bitcast_convert_type3A_215, %add3A_223 : vector<16xi32>
    %add3A_225 = arith.addi %add3A_224, %and3A_221 : vector<16xi32>
    %and3A_226 = arith.constant -65536 : i32
    %and3A_227 = vector.broadcast %and3A_226 : i32 to vector<16xi32>
    %and3A_228 = arith.andi %add3A_225, %and3A_227 : vector<16xi32>
    %bitcast_convert_type3A_229 = tpu.bitcast %and3A_228 : vector<16xi32> -> vector<16xf32>
    %bitcast_convert_type3A_230 = tpu.bitcast %get3A_46 : vector<16xf32> -> vector<16xi32>
    %shift_right_logical3A_231 = arith.constant 16 : i32
    %shift_right_logical3A_232 = vector.broadcast %shift_right_logical3A_231 : i32 to vector<16xi32>
    %shift_right_logical3A_233 = arith.shrui %bitcast_convert_type3A_230, %shift_right_logical3A_232 : vector<16xi32>
    %and3A_234 = arith.constant 1 : i32
    %and3A_235 = vector.broadcast %and3A_234 : i32 to vector<16xi32>
    %and3A_236 = arith.andi %shift_right_logical3A_233, %and3A_235 : vector<16xi32>
    %add3A_237 = arith.constant 32767 : i32
    %add3A_238 = vector.broadcast %add3A_237 : i32 to vector<16xi32>
    %add3A_239 = arith.addi %bitcast_convert_type3A_230, %add3A_238 : vector<16xi32>
    %add3A_240 = arith.addi %add3A_239, %and3A_236 : vector<16xi32>
    %and3A_241 = arith.constant -65536 : i32
    %and3A_242 = vector.broadcast %and3A_241 : i32 to vector<16xi32>
    %and3A_243 = arith.andi %add3A_240, %and3A_242 : vector<16xi32>
    %bitcast_convert_type3A_244 = tpu.bitcast %and3A_243 : vector<16xi32> -> vector<16xf32>
    %bitcast_convert_type3A_245 = tpu.bitcast %get3A_48 : vector<16xf32> -> vector<16xi32>
    %shift_right_logical3A_246 = arith.constant 16 : i32
    %shift_right_logical3A_247 = vector.broadcast %shift_right_logical3A_246 : i32 to vector<16xi32>
    %shift_right_logical3A_248 = arith.shrui %bitcast_convert_type3A_245, %shift_right_logical3A_247 : vector<16xi32>
    %and3A_249 = arith.constant 1 : i32
    %and3A_250 = vector.broadcast %and3A_249 : i32 to vector<16xi32>
    %and3A_251 = arith.andi %shift_right_logical3A_248, %and3A_250 : vector<16xi32>
    %add3A_252 = arith.constant 32767 : i32
    %add3A_253 = vector.broadcast %add3A_252 : i32 to vector<16xi32>
    %add3A_254 = arith.addi %bitcast_convert_type3A_245, %add3A_253 : vector<16xi32>
    %add3A_255 = arith.addi %add3A_254, %and3A_251 : vector<16xi32>
    %and3A_256 = arith.constant -65536 : i32
    %and3A_257 = vector.broadcast %and3A_256 : i32 to vector<16xi32>
    %and3A_258 = arith.andi %add3A_255, %and3A_257 : vector<16xi32>
    %bitcast_convert_type3A_259 = tpu.bitcast %and3A_258 : vector<16xi32> -> vector<16xf32>
    %bitcast_convert_type3A_260 = tpu.bitcast %get3A_50 : vector<16xf32> -> vector<16xi32>
    %shift_right_logical3A_261 = arith.constant 16 : i32
    %shift_right_logical3A_262 = vector.broadcast %shift_right_logical3A_261 : i32 to vector<16xi32>
    %shift_right_logical3A_263 = arith.shrui %bitcast_convert_type3A_260, %shift_right_logical3A_262 : vector<16xi32>
    %and3A_264 = arith.constant 1 : i32
    %and3A_265 = vector.broadcast %and3A_264 : i32 to vector<16xi32>
    %and3A_266 = arith.andi %shift_right_logical3A_263, %and3A_265 : vector<16xi32>
    %add3A_267 = arith.constant 32767 : i32
    %add3A_268 = vector.broadcast %add3A_267 : i32 to vector<16xi32>
    %add3A_269 = arith.addi %bitcast_convert_type3A_260, %add3A_268 : vector<16xi32>
    %add3A_270 = arith.addi %add3A_269, %and3A_266 : vector<16xi32>
    %and3A_271 = arith.constant -65536 : i32
    %and3A_272 = vector.broadcast %and3A_271 : i32 to vector<16xi32>
    %and3A_273 = arith.andi %add3A_270, %and3A_272 : vector<16xi32>
    %bitcast_convert_type3A_274 = tpu.bitcast %and3A_273 : vector<16xi32> -> vector<16xf32>
    %bitcast_convert_type3A_275 = tpu.bitcast %get3A_52 : vector<16xf32> -> vector<16xi32>
    %shift_right_logical3A_276 = arith.constant 16 : i32
    %shift_right_logical3A_277 = vector.broadcast %shift_right_logical3A_276 : i32 to vector<16xi32>
    %shift_right_logical3A_278 = arith.shrui %bitcast_convert_type3A_275, %shift_right_logical3A_277 : vector<16xi32>
    %and3A_279 = arith.constant 1 : i32
    %and3A_280 = vector.broadcast %and3A_279 : i32 to vector<16xi32>
    %and3A_281 = arith.andi %shift_right_logical3A_278, %and3A_280 : vector<16xi32>
    %add3A_282 = arith.constant 32767 : i32
    %add3A_283 = vector.broadcast %add3A_282 : i32 to vector<16xi32>
    %add3A_284 = arith.addi %bitcast_convert_type3A_275, %add3A_283 : vector<16xi32>
    %add3A_285 = arith.addi %add3A_284, %and3A_281 : vector<16xi32>
    %and3A_286 = arith.constant -65536 : i32
    %and3A_287 = vector.broadcast %and3A_286 : i32 to vector<16xi32>
    %and3A_288 = arith.andi %add3A_285, %and3A_287 : vector<16xi32>
    %bitcast_convert_type3A_289 = tpu.bitcast %and3A_288 : vector<16xi32> -> vector<16xf32>
    %bitcast_convert_type3A_290 = tpu.bitcast %get3A_54 : vector<16xf32> -> vector<16xi32>
    %shift_right_logical3A_291 = arith.constant 16 : i32
    %shift_right_logical3A_292 = vector.broadcast %shift_right_logical3A_291 : i32 to vector<16xi32>
    %shift_right_logical3A_293 = arith.shrui %bitcast_convert_type3A_290, %shift_right_logical3A_292 : vector<16xi32>
    %and3A_294 = arith.constant 1 : i32
    %and3A_295 = vector.broadcast %and3A_294 : i32 to vector<16xi32>
    %and3A_296 = arith.andi %shift_right_logical3A_293, %and3A_295 : vector<16xi32>
    %add3A_297 = arith.constant 32767 : i32
    %add3A_298 = vector.broadcast %add3A_297 : i32 to vector<16xi32>
    %add3A_299 = arith.addi %bitcast_convert_type3A_290, %add3A_298 : vector<16xi32>
    %add3A_300 = arith.addi %add3A_299, %and3A_296 : vector<16xi32>
    %and3A_301 = arith.constant -65536 : i32
    %and3A_302 = vector.broadcast %and3A_301 : i32 to vector<16xi32>
    %and3A_303 = arith.andi %add3A_300, %and3A_302 : vector<16xi32>
    %bitcast_convert_type3A_304 = tpu.bitcast %and3A_303 : vector<16xi32> -> vector<16xf32>
    %bitcast_convert_type3A_305 = tpu.bitcast %get3A_56 : vector<16xf32> -> vector<16xi32>
    %shift_right_logical3A_306 = arith.constant 16 : i32
    %shift_right_logical3A_307 = vector.broadcast %shift_right_logical3A_306 : i32 to vector<16xi32>
    %shift_right_logical3A_308 = arith.shrui %bitcast_convert_type3A_305, %shift_right_logical3A_307 : vector<16xi32>
    %and3A_309 = arith.constant 1 : i32
    %and3A_310 = vector.broadcast %and3A_309 : i32 to vector<16xi32>
    %and3A_311 = arith.andi %shift_right_logical3A_308, %and3A_310 : vector<16xi32>
    %add3A_312 = arith.constant 32767 : i32
    %add3A_313 = vector.broadcast %add3A_312 : i32 to vector<16xi32>
    %add3A_314 = arith.addi %bitcast_convert_type3A_305, %add3A_313 : vector<16xi32>
    %add3A_315 = arith.addi %add3A_314, %and3A_311 : vector<16xi32>
    %and3A_316 = arith.constant -65536 : i32
    %and3A_317 = vector.broadcast %and3A_316 : i32 to vector<16xi32>
    %and3A_318 = arith.andi %add3A_315, %and3A_317 : vector<16xi32>
    %bitcast_convert_type3A_319 = tpu.bitcast %and3A_318 : vector<16xi32> -> vector<16xf32>
    %bitcast_convert_type3A_320 = tpu.bitcast %get3A_58 : vector<16xf32> -> vector<16xi32>
    %shift_right_logical3A_321 = arith.constant 16 : i32
    %shift_right_logical3A_322 = vector.broadcast %shift_right_logical3A_321 : i32 to vector<16xi32>
    %shift_right_logical3A_323 = arith.shrui %bitcast_convert_type3A_320, %shift_right_logical3A_322 : vector<16xi32>
    %and3A_324 = arith.constant 1 : i32
    %and3A_325 = vector.broadcast %and3A_324 : i32 to vector<16xi32>
    %and3A_326 = arith.andi %shift_right_logical3A_323, %and3A_325 : vector<16xi32>
    %add3A_327 = arith.constant 32767 : i32
    %add3A_328 = vector.broadcast %add3A_327 : i32 to vector<16xi32>
    %add3A_329 = arith.addi %bitcast_convert_type3A_320, %add3A_328 : vector<16xi32>
    %add3A_330 = arith.addi %add3A_329, %and3A_326 : vector<16xi32>
    %and3A_331 = arith.constant -65536 : i32
    %and3A_332 = vector.broadcast %and3A_331 : i32 to vector<16xi32>
    %and3A_333 = arith.andi %add3A_330, %and3A_332 : vector<16xi32>
    %bitcast_convert_type3A_334 = tpu.bitcast %and3A_333 : vector<16xi32> -> vector<16xf32>
    %bitcast_convert_type3A_335 = tpu.bitcast %get3A_60 : vector<16xf32> -> vector<16xi32>
    %shift_right_logical3A_336 = arith.constant 16 : i32
    %shift_right_logical3A_337 = vector.broadcast %shift_right_logical3A_336 : i32 to vector<16xi32>
    %shift_right_logical3A_338 = arith.shrui %bitcast_convert_type3A_335, %shift_right_logical3A_337 : vector<16xi32>
    %and3A_339 = arith.constant 1 : i32
    %and3A_340 = vector.broadcast %and3A_339 : i32 to vector<16xi32>
    %and3A_341 = arith.andi %shift_right_logical3A_338, %and3A_340 : vector<16xi32>
    %add3A_342 = arith.constant 32767 : i32
    %add3A_343 = vector.broadcast %add3A_342 : i32 to vector<16xi32>
    %add3A_344 = arith.addi %bitcast_convert_type3A_335, %add3A_343 : vector<16xi32>
    %add3A_345 = arith.addi %add3A_344, %and3A_341 : vector<16xi32>
    %and3A_346 = arith.constant -65536 : i32
    %and3A_347 = vector.broadcast %and3A_346 : i32 to vector<16xi32>
    %and3A_348 = arith.andi %add3A_345, %and3A_347 : vector<16xi32>
    %bitcast_convert_type3A_349 = tpu.bitcast %and3A_348 : vector<16xi32> -> vector<16xf32>
    %bitcast_convert_type3A_350 = tpu.bitcast %get3A_62 : vector<16xf32> -> vector<16xi32>
    %shift_right_logical3A_351 = arith.constant 16 : i32
    %shift_right_logical3A_352 = vector.broadcast %shift_right_logical3A_351 : i32 to vector<16xi32>
    %shift_right_logical3A_353 = arith.shrui %bitcast_convert_type3A_350, %shift_right_logical3A_352 : vector<16xi32>
    %and3A_354 = arith.constant 1 : i32
    %and3A_355 = vector.broadcast %and3A_354 : i32 to vector<16xi32>
    %and3A_356 = arith.andi %shift_right_logical3A_353, %and3A_355 : vector<16xi32>
    %add3A_357 = arith.constant 32767 : i32
    %add3A_358 = vector.broadcast %add3A_357 : i32 to vector<16xi32>
    %add3A_359 = arith.addi %bitcast_convert_type3A_350, %add3A_358 : vector<16xi32>
    %add3A_360 = arith.addi %add3A_359, %and3A_356 : vector<16xi32>
    %and3A_361 = arith.constant -65536 : i32
    %and3A_362 = vector.broadcast %and3A_361 : i32 to vector<16xi32>
    %and3A_363 = arith.andi %add3A_360, %and3A_362 : vector<16xi32>
    %bitcast_convert_type3A_364 = tpu.bitcast %and3A_363 : vector<16xi32> -> vector<16xf32>
    %bitcast_convert_type3A_365 = tpu.bitcast %get3A_64 : vector<16xf32> -> vector<16xi32>
    %shift_right_logical3A_366 = arith.constant 16 : i32
    %shift_right_logical3A_367 = vector.broadcast %shift_right_logical3A_366 : i32 to vector<16xi32>
    %shift_right_logical3A_368 = arith.shrui %bitcast_convert_type3A_365, %shift_right_logical3A_367 : vector<16xi32>
    %and3A_369 = arith.constant 1 : i32
    %and3A_370 = vector.broadcast %and3A_369 : i32 to vector<16xi32>
    %and3A_371 = arith.andi %shift_right_logical3A_368, %and3A_370 : vector<16xi32>
    %add3A_372 = arith.constant 32767 : i32
    %add3A_373 = vector.broadcast %add3A_372 : i32 to vector<16xi32>
    %add3A_374 = arith.addi %bitcast_convert_type3A_365, %add3A_373 : vector<16xi32>
    %add3A_375 = arith.addi %add3A_374, %and3A_371 : vector<16xi32>
    %and3A_376 = arith.constant -65536 : i32
    %and3A_377 = vector.broadcast %and3A_376 : i32 to vector<16xi32>
    %and3A_378 = arith.andi %add3A_375, %and3A_377 : vector<16xi32>
    %bitcast_convert_type3A_379 = tpu.bitcast %and3A_378 : vector<16xi32> -> vector<16xf32>
    %bitcast_convert_type3A_380 = tpu.bitcast %get3A_66 : vector<16xf32> -> vector<16xi32>
    %shift_right_logical3A_381 = arith.constant 16 : i32
    %shift_right_logical3A_382 = vector.broadcast %shift_right_logical3A_381 : i32 to vector<16xi32>
    %shift_right_logical3A_383 = arith.shrui %bitcast_convert_type3A_380, %shift_right_logical3A_382 : vector<16xi32>
    %and3A_384 = arith.constant 1 : i32
    %and3A_385 = vector.broadcast %and3A_384 : i32 to vector<16xi32>
    %and3A_386 = arith.andi %shift_right_logical3A_383, %and3A_385 : vector<16xi32>
    %add3A_387 = arith.constant 32767 : i32
    %add3A_388 = vector.broadcast %add3A_387 : i32 to vector<16xi32>
    %add3A_389 = arith.addi %bitcast_convert_type3A_380, %add3A_388 : vector<16xi32>
    %add3A_390 = arith.addi %add3A_389, %and3A_386 : vector<16xi32>
    %and3A_391 = arith.constant -65536 : i32
    %and3A_392 = vector.broadcast %and3A_391 : i32 to vector<16xi32>
    %and3A_393 = arith.andi %add3A_390, %and3A_392 : vector<16xi32>
    %bitcast_convert_type3A_394 = tpu.bitcast %and3A_393 : vector<16xi32> -> vector<16xf32>
    %bitcast_convert_type3A_395 = tpu.bitcast %get3A_68 : vector<16xf32> -> vector<16xi32>
    %shift_right_logical3A_396 = arith.constant 16 : i32
    %shift_right_logical3A_397 = vector.broadcast %shift_right_logical3A_396 : i32 to vector<16xi32>
    %shift_right_logical3A_398 = arith.shrui %bitcast_convert_type3A_395, %shift_right_logical3A_397 : vector<16xi32>
    %and3A_399 = arith.constant 1 : i32
    %and3A_400 = vector.broadcast %and3A_399 : i32 to vector<16xi32>
    %and3A_401 = arith.andi %shift_right_logical3A_398, %and3A_400 : vector<16xi32>
    %add3A_402 = arith.constant 32767 : i32
    %add3A_403 = vector.broadcast %add3A_402 : i32 to vector<16xi32>
    %add3A_404 = arith.addi %bitcast_convert_type3A_395, %add3A_403 : vector<16xi32>
    %add3A_405 = arith.addi %add3A_404, %and3A_401 : vector<16xi32>
    %and3A_406 = arith.constant -65536 : i32
    %and3A_407 = vector.broadcast %and3A_406 : i32 to vector<16xi32>
    %and3A_408 = arith.andi %add3A_405, %and3A_407 : vector<16xi32>
    %bitcast_convert_type3A_409 = tpu.bitcast %and3A_408 : vector<16xi32> -> vector<16xf32>
    %bitcast_convert_type3A_410 = tpu.bitcast %get3A_70 : vector<16xf32> -> vector<16xi32>
    %shift_right_logical3A_411 = arith.constant 16 : i32
    %shift_right_logical3A_412 = vector.broadcast %shift_right_logical3A_411 : i32 to vector<16xi32>
    %shift_right_logical3A_413 = arith.shrui %bitcast_convert_type3A_410, %shift_right_logical3A_412 : vector<16xi32>
    %and3A_414 = arith.constant 1 : i32
    %and3A_415 = vector.broadcast %and3A_414 : i32 to vector<16xi32>
    %and3A_416 = arith.andi %shift_right_logical3A_413, %and3A_415 : vector<16xi32>
    %add3A_417 = arith.constant 32767 : i32
    %add3A_418 = vector.broadcast %add3A_417 : i32 to vector<16xi32>
    %add3A_419 = arith.addi %bitcast_convert_type3A_410, %add3A_418 : vector<16xi32>
    %add3A_420 = arith.addi %add3A_419, %and3A_416 : vector<16xi32>
    %and3A_421 = arith.constant -65536 : i32
    %and3A_422 = vector.broadcast %and3A_421 : i32 to vector<16xi32>
    %and3A_423 = arith.andi %add3A_420, %and3A_422 : vector<16xi32>
    %bitcast_convert_type3A_424 = tpu.bitcast %and3A_423 : vector<16xi32> -> vector<16xf32>
    %bitcast_convert_type3A_425 = tpu.bitcast %get3A_72 : vector<16xf32> -> vector<16xi32>
    %shift_right_logical3A_426 = arith.constant 16 : i32
    %shift_right_logical3A_427 = vector.broadcast %shift_right_logical3A_426 : i32 to vector<16xi32>
    %shift_right_logical3A_428 = arith.shrui %bitcast_convert_type3A_425, %shift_right_logical3A_427 : vector<16xi32>
    %and3A_429 = arith.constant 1 : i32
    %and3A_430 = vector.broadcast %and3A_429 : i32 to vector<16xi32>
    %and3A_431 = arith.andi %shift_right_logical3A_428, %and3A_430 : vector<16xi32>
    %add3A_432 = arith.constant 32767 : i32
    %add3A_433 = vector.broadcast %add3A_432 : i32 to vector<16xi32>
    %add3A_434 = arith.addi %bitcast_convert_type3A_425, %add3A_433 : vector<16xi32>
    %add3A_435 = arith.addi %add3A_434, %and3A_431 : vector<16xi32>
    %and3A_436 = arith.constant -65536 : i32
    %and3A_437 = vector.broadcast %and3A_436 : i32 to vector<16xi32>
    %and3A_438 = arith.andi %add3A_435, %and3A_437 : vector<16xi32>
    %bitcast_convert_type3A_439 = tpu.bitcast %and3A_438 : vector<16xi32> -> vector<16xf32>
    %bitcast_convert_type3A_440 = tpu.bitcast %get3A_74 : vector<16xf32> -> vector<16xi32>
    %shift_right_logical3A_441 = arith.constant 16 : i32
    %shift_right_logical3A_442 = vector.broadcast %shift_right_logical3A_441 : i32 to vector<16xi32>
    %shift_right_logical3A_443 = arith.shrui %bitcast_convert_type3A_440, %shift_right_logical3A_442 : vector<16xi32>
    %and3A_444 = arith.constant 1 : i32
    %and3A_445 = vector.broadcast %and3A_444 : i32 to vector<16xi32>
    %and3A_446 = arith.andi %shift_right_logical3A_443, %and3A_445 : vector<16xi32>
    %add3A_447 = arith.constant 32767 : i32
    %add3A_448 = vector.broadcast %add3A_447 : i32 to vector<16xi32>
    %add3A_449 = arith.addi %bitcast_convert_type3A_440, %add3A_448 : vector<16xi32>
    %add3A_450 = arith.addi %add3A_449, %and3A_446 : vector<16xi32>
    %and3A_451 = arith.constant -65536 : i32
    %and3A_452 = vector.broadcast %and3A_451 : i32 to vector<16xi32>
    %and3A_453 = arith.andi %add3A_450, %and3A_452 : vector<16xi32>
    %bitcast_convert_type3A_454 = tpu.bitcast %and3A_453 : vector<16xi32> -> vector<16xf32>
    %bitcast_convert_type3A_455 = tpu.bitcast %get3A_76 : vector<16xf32> -> vector<16xi32>
    %shift_right_logical3A_456 = arith.constant 16 : i32
    %shift_right_logical3A_457 = vector.broadcast %shift_right_logical3A_456 : i32 to vector<16xi32>
    %shift_right_logical3A_458 = arith.shrui %bitcast_convert_type3A_455, %shift_right_logical3A_457 : vector<16xi32>
    %and3A_459 = arith.constant 1 : i32
    %and3A_460 = vector.broadcast %and3A_459 : i32 to vector<16xi32>
    %and3A_461 = arith.andi %shift_right_logical3A_458, %and3A_460 : vector<16xi32>
    %add3A_462 = arith.constant 32767 : i32
    %add3A_463 = vector.broadcast %add3A_462 : i32 to vector<16xi32>
    %add3A_464 = arith.addi %bitcast_convert_type3A_455, %add3A_463 : vector<16xi32>
    %add3A_465 = arith.addi %add3A_464, %and3A_461 : vector<16xi32>
    %and3A_466 = arith.constant -65536 : i32
    %and3A_467 = vector.broadcast %and3A_466 : i32 to vector<16xi32>
    %and3A_468 = arith.andi %add3A_465, %and3A_467 : vector<16xi32>
    %bitcast_convert_type3A_469 = tpu.bitcast %and3A_468 : vector<16xi32> -> vector<16xf32>
    %bitcast_convert_type3A_470 = tpu.bitcast %get3A_78 : vector<16xf32> -> vector<16xi32>
    %shift_right_logical3A_471 = arith.constant 16 : i32
    %shift_right_logical3A_472 = vector.broadcast %shift_right_logical3A_471 : i32 to vector<16xi32>
    %shift_right_logical3A_473 = arith.shrui %bitcast_convert_type3A_470, %shift_right_logical3A_472 : vector<16xi32>
    %and3A_474 = arith.constant 1 : i32
    %and3A_475 = vector.broadcast %and3A_474 : i32 to vector<16xi32>
    %and3A_476 = arith.andi %shift_right_logical3A_473, %and3A_475 : vector<16xi32>
    %add3A_477 = arith.constant 32767 : i32
    %add3A_478 = vector.broadcast %add3A_477 : i32 to vector<16xi32>
    %add3A_479 = arith.addi %bitcast_convert_type3A_470, %add3A_478 : vector<16xi32>
    %add3A_480 = arith.addi %add3A_479, %and3A_476 : vector<16xi32>
    %and3A_481 = arith.constant -65536 : i32
    %and3A_482 = vector.broadcast %and3A_481 : i32 to vector<16xi32>
    %and3A_483 = arith.andi %add3A_480, %and3A_482 : vector<16xi32>
    %bitcast_convert_type3A_484 = tpu.bitcast %and3A_483 : vector<16xi32> -> vector<16xf32>
    %bitcast_convert_type3A_485 = tpu.bitcast %get3A_80 : vector<16xf32> -> vector<16xi32>
    %shift_right_logical3A_486 = arith.constant 16 : i32
    %shift_right_logical3A_487 = vector.broadcast %shift_right_logical3A_486 : i32 to vector<16xi32>
    %shift_right_logical3A_488 = arith.shrui %bitcast_convert_type3A_485, %shift_right_logical3A_487 : vector<16xi32>
    %and3A_489 = arith.constant 1 : i32
    %and3A_490 = vector.broadcast %and3A_489 : i32 to vector<16xi32>
    %and3A_491 = arith.andi %shift_right_logical3A_488, %and3A_490 : vector<16xi32>
    %add3A_492 = arith.constant 32767 : i32
    %add3A_493 = vector.broadcast %add3A_492 : i32 to vector<16xi32>
    %add3A_494 = arith.addi %bitcast_convert_type3A_485, %add3A_493 : vector<16xi32>
    %add3A_495 = arith.addi %add3A_494, %and3A_491 : vector<16xi32>
    %and3A_496 = arith.constant -65536 : i32
    %and3A_497 = vector.broadcast %and3A_496 : i32 to vector<16xi32>
    %and3A_498 = arith.andi %add3A_495, %and3A_497 : vector<16xi32>
    %bitcast_convert_type3A_499 = tpu.bitcast %and3A_498 : vector<16xi32> -> vector<16xf32>
    %bitcast_convert_type3A_500 = tpu.bitcast %get3A_82 : vector<16xf32> -> vector<16xi32>
    %shift_right_logical3A_501 = arith.constant 16 : i32
    %shift_right_logical3A_502 = vector.broadcast %shift_right_logical3A_501 : i32 to vector<16xi32>
    %shift_right_logical3A_503 = arith.shrui %bitcast_convert_type3A_500, %shift_right_logical3A_502 : vector<16xi32>
    %and3A_504 = arith.constant 1 : i32
    %and3A_505 = vector.broadcast %and3A_504 : i32 to vector<16xi32>
    %and3A_506 = arith.andi %shift_right_logical3A_503, %and3A_505 : vector<16xi32>
    %add3A_507 = arith.constant 32767 : i32
    %add3A_508 = vector.broadcast %add3A_507 : i32 to vector<16xi32>
    %add3A_509 = arith.addi %bitcast_convert_type3A_500, %add3A_508 : vector<16xi32>
    %add3A_510 = arith.addi %add3A_509, %and3A_506 : vector<16xi32>
    %and3A_511 = arith.constant -65536 : i32
    %and3A_512 = vector.broadcast %and3A_511 : i32 to vector<16xi32>
    %and3A_513 = arith.andi %add3A_510, %and3A_512 : vector<16xi32>
    %bitcast_convert_type3A_514 = tpu.bitcast %and3A_513 : vector<16xi32> -> vector<16xf32>
    %bitcast_convert_type3A_515 = tpu.bitcast %get3A_84 : vector<16xf32> -> vector<16xi32>
    %shift_right_logical3A_516 = arith.constant 16 : i32
    %shift_right_logical3A_517 = vector.broadcast %shift_right_logical3A_516 : i32 to vector<16xi32>
    %shift_right_logical3A_518 = arith.shrui %bitcast_convert_type3A_515, %shift_right_logical3A_517 : vector<16xi32>
    %and3A_519 = arith.constant 1 : i32
    %and3A_520 = vector.broadcast %and3A_519 : i32 to vector<16xi32>
    %and3A_521 = arith.andi %shift_right_logical3A_518, %and3A_520 : vector<16xi32>
    %add3A_522 = arith.constant 32767 : i32
    %add3A_523 = vector.broadcast %add3A_522 : i32 to vector<16xi32>
    %add3A_524 = arith.addi %bitcast_convert_type3A_515, %add3A_523 : vector<16xi32>
    %add3A_525 = arith.addi %add3A_524, %and3A_521 : vector<16xi32>
    %and3A_526 = arith.constant -65536 : i32
    %and3A_527 = vector.broadcast %and3A_526 : i32 to vector<16xi32>
    %and3A_528 = arith.andi %add3A_525, %and3A_527 : vector<16xi32>
    %bitcast_convert_type3A_529 = tpu.bitcast %and3A_528 : vector<16xi32> -> vector<16xf32>
    %bitcast_convert_type3A_530 = tpu.bitcast %get3A_86 : vector<16xf32> -> vector<16xi32>
    %shift_right_logical3A_531 = arith.constant 16 : i32
    %shift_right_logical3A_532 = vector.broadcast %shift_right_logical3A_531 : i32 to vector<16xi32>
    %shift_right_logical3A_533 = arith.shrui %bitcast_convert_type3A_530, %shift_right_logical3A_532 : vector<16xi32>
    %and3A_534 = arith.constant 1 : i32
    %and3A_535 = vector.broadcast %and3A_534 : i32 to vector<16xi32>
    %and3A_536 = arith.andi %shift_right_logical3A_533, %and3A_535 : vector<16xi32>
    %add3A_537 = arith.constant 32767 : i32
    %add3A_538 = vector.broadcast %add3A_537 : i32 to vector<16xi32>
    %add3A_539 = arith.addi %bitcast_convert_type3A_530, %add3A_538 : vector<16xi32>
    %add3A_540 = arith.addi %add3A_539, %and3A_536 : vector<16xi32>
    %and3A_541 = arith.constant -65536 : i32
    %and3A_542 = vector.broadcast %and3A_541 : i32 to vector<16xi32>
    %and3A_543 = arith.andi %add3A_540, %and3A_542 : vector<16xi32>
    %bitcast_convert_type3A_544 = tpu.bitcast %and3A_543 : vector<16xi32> -> vector<16xf32>
    %bitcast_convert_type3A_545 = tpu.bitcast %get3A_88 : vector<16xf32> -> vector<16xi32>
    %shift_right_logical3A_546 = arith.constant 16 : i32
    %shift_right_logical3A_547 = vector.broadcast %shift_right_logical3A_546 : i32 to vector<16xi32>
    %shift_right_logical3A_548 = arith.shrui %bitcast_convert_type3A_545, %shift_right_logical3A_547 : vector<16xi32>
    %and3A_549 = arith.constant 1 : i32
    %and3A_550 = vector.broadcast %and3A_549 : i32 to vector<16xi32>
    %and3A_551 = arith.andi %shift_right_logical3A_548, %and3A_550 : vector<16xi32>
    %add3A_552 = arith.constant 32767 : i32
    %add3A_553 = vector.broadcast %add3A_552 : i32 to vector<16xi32>
    %add3A_554 = arith.addi %bitcast_convert_type3A_545, %add3A_553 : vector<16xi32>
    %add3A_555 = arith.addi %add3A_554, %and3A_551 : vector<16xi32>
    %and3A_556 = arith.constant -65536 : i32
    %and3A_557 = vector.broadcast %and3A_556 : i32 to vector<16xi32>
    %and3A_558 = arith.andi %add3A_555, %and3A_557 : vector<16xi32>
    %bitcast_convert_type3A_559 = tpu.bitcast %and3A_558 : vector<16xi32> -> vector<16xf32>
    %bitcast_convert_type3A_560 = tpu.bitcast %get3A_90 : vector<16xf32> -> vector<16xi32>
    %shift_right_logical3A_561 = arith.constant 16 : i32
    %shift_right_logical3A_562 = vector.broadcast %shift_right_logical3A_561 : i32 to vector<16xi32>
    %shift_right_logical3A_563 = arith.shrui %bitcast_convert_type3A_560, %shift_right_logical3A_562 : vector<16xi32>
    %and3A_564 = arith.constant 1 : i32
    %and3A_565 = vector.broadcast %and3A_564 : i32 to vector<16xi32>
    %and3A_566 = arith.andi %shift_right_logical3A_563, %and3A_565 : vector<16xi32>
    %add3A_567 = arith.constant 32767 : i32
    %add3A_568 = vector.broadcast %add3A_567 : i32 to vector<16xi32>
    %add3A_569 = arith.addi %bitcast_convert_type3A_560, %add3A_568 : vector<16xi32>
    %add3A_570 = arith.addi %add3A_569, %and3A_566 : vector<16xi32>
    %and3A_571 = arith.constant -65536 : i32
    %and3A_572 = vector.broadcast %and3A_571 : i32 to vector<16xi32>
    %and3A_573 = arith.andi %add3A_570, %and3A_572 : vector<16xi32>
    %bitcast_convert_type3A_574 = tpu.bitcast %and3A_573 : vector<16xi32> -> vector<16xf32>
    %bitcast_convert_type3A_575 = tpu.bitcast %get3A_92 : vector<16xf32> -> vector<16xi32>
    %shift_right_logical3A_576 = arith.constant 16 : i32
    %shift_right_logical3A_577 = vector.broadcast %shift_right_logical3A_576 : i32 to vector<16xi32>
    %shift_right_logical3A_578 = arith.shrui %bitcast_convert_type3A_575, %shift_right_logical3A_577 : vector<16xi32>
    %and3A_579 = arith.constant 1 : i32
    %and3A_580 = vector.broadcast %and3A_579 : i32 to vector<16xi32>
    %and3A_581 = arith.andi %shift_right_logical3A_578, %and3A_580 : vector<16xi32>
    %add3A_582 = arith.constant 32767 : i32
    %add3A_583 = vector.broadcast %add3A_582 : i32 to vector<16xi32>
    %add3A_584 = arith.addi %bitcast_convert_type3A_575, %add3A_583 : vector<16xi32>
    %add3A_585 = arith.addi %add3A_584, %and3A_581 : vector<16xi32>
    %and3A_586 = arith.constant -65536 : i32
    %and3A_587 = vector.broadcast %and3A_586 : i32 to vector<16xi32>
    %and3A_588 = arith.andi %add3A_585, %and3A_587 : vector<16xi32>
    %bitcast_convert_type3A_589 = tpu.bitcast %and3A_588 : vector<16xi32> -> vector<16xf32>
    %bitcast_convert_type3A_590 = tpu.bitcast %get3A_94 : vector<16xf32> -> vector<16xi32>
    %shift_right_logical3A_591 = arith.constant 16 : i32
    %shift_right_logical3A_592 = vector.broadcast %shift_right_logical3A_591 : i32 to vector<16xi32>
    %shift_right_logical3A_593 = arith.shrui %bitcast_convert_type3A_590, %shift_right_logical3A_592 : vector<16xi32>
    %and3A_594 = arith.constant 1 : i32
    %and3A_595 = vector.broadcast %and3A_594 : i32 to vector<16xi32>
    %and3A_596 = arith.andi %shift_right_logical3A_593, %and3A_595 : vector<16xi32>
    %add3A_597 = arith.constant 32767 : i32
    %add3A_598 = vector.broadcast %add3A_597 : i32 to vector<16xi32>
    %add3A_599 = arith.addi %bitcast_convert_type3A_590, %add3A_598 : vector<16xi32>
    %add3A_600 = arith.addi %add3A_599, %and3A_596 : vector<16xi32>
    %and3A_601 = arith.constant -65536 : i32
    %and3A_602 = vector.broadcast %and3A_601 : i32 to vector<16xi32>
    %and3A_603 = arith.andi %add3A_600, %and3A_602 : vector<16xi32>
    %bitcast_convert_type3A_604 = tpu.bitcast %and3A_603 : vector<16xi32> -> vector<16xf32>
    %parallel_loop3A = arith.constant 0 : i32
    %parallel_loop3A_605 = arith.constant 157 : i32
    %parallel_loop3A_606 = arith.constant 1 : i32
    scf.for %parallel_loop3A_616 = %parallel_loop3A to %parallel_loop3A_605 step %parallel_loop3A_606  : i32 {
      %parallel_loop3A_617 = arith.constant 64 : i32
      %parallel_loop3A_618 = arith.muli %parallel_loop3A_616, %parallel_loop3A_617 : i32
      %parallel_loop3A_619 = arith.constant 4 : i32
      %parallel_loop3A_620 = vector.broadcast %parallel_loop3A_619 : i32 to vector<16xi32>
      %parallel_loop3A_621 = arith.muli %iota3A, %parallel_loop3A_620 : vector<16xi32>
      %parallel_loop3A_622 = vector.broadcast %parallel_loop3A_618 : i32 to vector<16xi32>
      %parallel_loop3A_623 = arith.addi %parallel_loop3A_622, %parallel_loop3A_621 : vector<16xi32>
      %parallel_loop3A_624 = arith.constant 1 : i32
      %parallel_loop3A_625 = vector.broadcast %parallel_loop3A_624 : i32 to vector<16xi32>
      %parallel_loop3A_626 = arith.addi %parallel_loop3A_623, %parallel_loop3A_625 : vector<16xi32>
      %parallel_loop3A_627 = tpu.vector_load_idx %arg8[%parallel_loop3A_626] : memref<10048xi32, #tpu.memory_space<vmem>>[vector<16xi32>], vector<16xi32>,
      %parallel_loop3A_628 = arith.constant 4 : i32
      %parallel_loop3A_629 = vector.broadcast %parallel_loop3A_628 : i32 to vector<16xi32>
      %parallel_loop3A_630 = arith.muli %iota3A, %parallel_loop3A_629 : vector<16xi32>
      %parallel_loop3A_631 = vector.broadcast %parallel_loop3A_618 : i32 to vector<16xi32>
      %parallel_loop3A_632 = arith.addi %parallel_loop3A_631, %parallel_loop3A_630 : vector<16xi32>
      %parallel_loop3A_633 = arith.constant 2 : i32
      %parallel_loop3A_634 = vector.broadcast %parallel_loop3A_633 : i32 to vector<16xi32>
      %parallel_loop3A_635 = arith.addi %parallel_loop3A_632, %parallel_loop3A_634 : vector<16xi32>
      %parallel_loop3A_636 = tpu.vector_load_idx %arg8[%parallel_loop3A_635] : memref<10048xi32, #tpu.memory_space<vmem>>[vector<16xi32>], vector<16xi32>,
      %parallel_loop3A_637 = arith.constant 4 : i32
      %parallel_loop3A_638 = vector.broadcast %parallel_loop3A_637 : i32 to vector<16xi32>
      %parallel_loop3A_639 = arith.muli %iota3A, %parallel_loop3A_638 : vector<16xi32>
      %parallel_loop3A_640 = vector.broadcast %parallel_loop3A_618 : i32 to vector<16xi32>
      %parallel_loop3A_641 = arith.addi %parallel_loop3A_640, %parallel_loop3A_639 : vector<16xi32>
      %parallel_loop3A_642 = arith.constant 3 : i32
      %parallel_loop3A_643 = vector.broadcast %parallel_loop3A_642 : i32 to vector<16xi32>
      %parallel_loop3A_644 = arith.addi %parallel_loop3A_641, %parallel_loop3A_643 : vector<16xi32>
      %parallel_loop3A_645 = tpu.vector_load_idx %arg8[%parallel_loop3A_644] : memref<10048xi32, #tpu.memory_space<vmem>>[vector<16xi32>], vector<16xi32>,
      %parallel_loop3A_646 = arith.sitofp %parallel_loop3A_645 : vector<16xi32> to vector<16xf32>
      %parallel_loop3A_647 = tpu.bitcast %parallel_loop3A_646 : vector<16xf32> -> vector<16xi32>
      %parallel_loop3A_648 = arith.constant 16 : i32
      %parallel_loop3A_649 = vector.broadcast %parallel_loop3A_648 : i32 to vector<16xi32>
      %parallel_loop3A_650 = arith.shrui %parallel_loop3A_647, %parallel_loop3A_649 : vector<16xi32>
      %parallel_loop3A_651 = arith.constant 1 : i32
      %parallel_loop3A_652 = vector.broadcast %parallel_loop3A_651 : i32 to vector<16xi32>
      %parallel_loop3A_653 = arith.andi %parallel_loop3A_650, %parallel_loop3A_652 : vector<16xi32>
      %parallel_loop3A_654 = arith.constant 32767 : i32
      %parallel_loop3A_655 = vector.broadcast %parallel_loop3A_654 : i32 to vector<16xi32>
      %parallel_loop3A_656 = arith.addi %parallel_loop3A_647, %parallel_loop3A_655 : vector<16xi32>
      %parallel_loop3A_657 = arith.addi %parallel_loop3A_656, %parallel_loop3A_653 : vector<16xi32>
      %parallel_loop3A_658 = arith.constant -65536 : i32
      %parallel_loop3A_659 = vector.broadcast %parallel_loop3A_658 : i32 to vector<16xi32>
      %parallel_loop3A_660 = arith.andi %parallel_loop3A_657, %parallel_loop3A_659 : vector<16xi32>
      %parallel_loop3A_661 = tpu.bitcast %parallel_loop3A_660 : vector<16xi32> -> vector<16xf32>
      %parallel_loop3A_662 = arith.sitofp %parallel_loop3A_636 : vector<16xi32> to vector<16xf32>
      %parallel_loop3A_663 = tpu.bitcast %parallel_loop3A_662 : vector<16xf32> -> vector<16xi32>
      %parallel_loop3A_664 = arith.constant 16 : i32
      %parallel_loop3A_665 = vector.broadcast %parallel_loop3A_664 : i32 to vector<16xi32>
      %parallel_loop3A_666 = arith.shrui %parallel_loop3A_663, %parallel_loop3A_665 : vector<16xi32>
      %parallel_loop3A_667 = arith.constant 1 : i32
      %parallel_loop3A_668 = vector.broadcast %parallel_loop3A_667 : i32 to vector<16xi32>
      %parallel_loop3A_669 = arith.andi %parallel_loop3A_666, %parallel_loop3A_668 : vector<16xi32>
      %parallel_loop3A_670 = arith.constant 32767 : i32
      %parallel_loop3A_671 = vector.broadcast %parallel_loop3A_670 : i32 to vector<16xi32>
      %parallel_loop3A_672 = arith.addi %parallel_loop3A_663, %parallel_loop3A_671 : vector<16xi32>
      %parallel_loop3A_673 = arith.addi %parallel_loop3A_672, %parallel_loop3A_669 : vector<16xi32>
      %parallel_loop3A_674 = arith.constant -65536 : i32
      %parallel_loop3A_675 = vector.broadcast %parallel_loop3A_674 : i32 to vector<16xi32>
      %parallel_loop3A_676 = arith.andi %parallel_loop3A_673, %parallel_loop3A_675 : vector<16xi32>
      %parallel_loop3A_677 = tpu.bitcast %parallel_loop3A_676 : vector<16xi32> -> vector<16xf32>
      %parallel_loop3A_678 = arith.sitofp %parallel_loop3A_627 : vector<16xi32> to vector<16xf32>
      %parallel_loop3A_679 = tpu.bitcast %parallel_loop3A_678 : vector<16xf32> -> vector<16xi32>
      %parallel_loop3A_680 = arith.constant 16 : i32
      %parallel_loop3A_681 = vector.broadcast %parallel_loop3A_680 : i32 to vector<16xi32>
      %parallel_loop3A_682 = arith.shrui %parallel_loop3A_679, %parallel_loop3A_681 : vector<16xi32>
      %parallel_loop3A_683 = arith.constant 1 : i32
      %parallel_loop3A_684 = vector.broadcast %parallel_loop3A_683 : i32 to vector<16xi32>
      %parallel_loop3A_685 = arith.andi %parallel_loop3A_682, %parallel_loop3A_684 : vector<16xi32>
      %parallel_loop3A_686 = arith.constant 32767 : i32
      %parallel_loop3A_687 = vector.broadcast %parallel_loop3A_686 : i32 to vector<16xi32>
      %parallel_loop3A_688 = arith.addi %parallel_loop3A_679, %parallel_loop3A_687 : vector<16xi32>
      %parallel_loop3A_689 = arith.addi %parallel_loop3A_688, %parallel_loop3A_685 : vector<16xi32>
      %parallel_loop3A_690 = arith.constant -65536 : i32
      %parallel_loop3A_691 = vector.broadcast %parallel_loop3A_690 : i32 to vector<16xi32>
      %parallel_loop3A_692 = arith.andi %parallel_loop3A_689, %parallel_loop3A_691 : vector<16xi32>
      %parallel_loop3A_693 = tpu.bitcast %parallel_loop3A_692 : vector<16xi32> -> vector<16xf32>
      %parallel_loop3A_694 = arith.mulf %parallel_loop3A_661, %broadcast_in_dim3A_170 : vector<16xf32>
      %parallel_loop3A_695 = arith.addf %parallel_loop3A_694, %broadcast_in_dim3A_176 : vector<16xf32>
      %parallel_loop3A_696 = tpu.bitcast %parallel_loop3A_695 : vector<16xf32> -> vector<16xi32>
      %parallel_loop3A_697 = arith.constant 16 : i32
      %parallel_loop3A_698 = vector.broadcast %parallel_loop3A_697 : i32 to vector<16xi32>
      %parallel_loop3A_699 = arith.shrui %parallel_loop3A_696, %parallel_loop3A_698 : vector<16xi32>
      %parallel_loop3A_700 = arith.constant 1 : i32
      %parallel_loop3A_701 = vector.broadcast %parallel_loop3A_700 : i32 to vector<16xi32>
      %parallel_loop3A_702 = arith.andi %parallel_loop3A_699, %parallel_loop3A_701 : vector<16xi32>
      %parallel_loop3A_703 = arith.constant 32767 : i32
      %parallel_loop3A_704 = vector.broadcast %parallel_loop3A_703 : i32 to vector<16xi32>
      %parallel_loop3A_705 = arith.addi %parallel_loop3A_696, %parallel_loop3A_704 : vector<16xi32>
      %parallel_loop3A_706 = arith.addi %parallel_loop3A_705, %parallel_loop3A_702 : vector<16xi32>
      %parallel_loop3A_707 = arith.constant -65536 : i32
      %parallel_loop3A_708 = vector.broadcast %parallel_loop3A_707 : i32 to vector<16xi32>
      %parallel_loop3A_709 = arith.andi %parallel_loop3A_706, %parallel_loop3A_708 : vector<16xi32>
      %parallel_loop3A_710 = tpu.bitcast %parallel_loop3A_709 : vector<16xi32> -> vector<16xf32>
      %parallel_loop3A_711 = arith.mulf %parallel_loop3A_677, %broadcast_in_dim3A_172 : vector<16xf32>
      %parallel_loop3A_712 = arith.addf %parallel_loop3A_711, %broadcast_in_dim3A_178 : vector<16xf32>
      %parallel_loop3A_713 = tpu.bitcast %parallel_loop3A_712 : vector<16xf32> -> vector<16xi32>
      %parallel_loop3A_714 = arith.constant 16 : i32
      %parallel_loop3A_715 = vector.broadcast %parallel_loop3A_714 : i32 to vector<16xi32>
      %parallel_loop3A_716 = arith.shrui %parallel_loop3A_713, %parallel_loop3A_715 : vector<16xi32>
      %parallel_loop3A_717 = arith.constant 1 : i32
      %parallel_loop3A_718 = vector.broadcast %parallel_loop3A_717 : i32 to vector<16xi32>
      %parallel_loop3A_719 = arith.andi %parallel_loop3A_716, %parallel_loop3A_718 : vector<16xi32>
      %parallel_loop3A_720 = arith.constant 32767 : i32
      %parallel_loop3A_721 = vector.broadcast %parallel_loop3A_720 : i32 to vector<16xi32>
      %parallel_loop3A_722 = arith.addi %parallel_loop3A_713, %parallel_loop3A_721 : vector<16xi32>
      %parallel_loop3A_723 = arith.addi %parallel_loop3A_722, %parallel_loop3A_719 : vector<16xi32>
      %parallel_loop3A_724 = arith.constant -65536 : i32
      %parallel_loop3A_725 = vector.broadcast %parallel_loop3A_724 : i32 to vector<16xi32>
      %parallel_loop3A_726 = arith.andi %parallel_loop3A_723, %parallel_loop3A_725 : vector<16xi32>
      %parallel_loop3A_727 = tpu.bitcast %parallel_loop3A_726 : vector<16xi32> -> vector<16xf32>
      %parallel_loop3A_728 = arith.mulf %parallel_loop3A_693, %broadcast_in_dim3A_174 : vector<16xf32>
      %parallel_loop3A_729 = arith.addf %parallel_loop3A_728, %broadcast_in_dim3A_180 : vector<16xf32>
      %parallel_loop3A_730 = tpu.bitcast %parallel_loop3A_729 : vector<16xf32> -> vector<16xi32>
      %parallel_loop3A_731 = arith.constant 16 : i32
      %parallel_loop3A_732 = vector.broadcast %parallel_loop3A_731 : i32 to vector<16xi32>
      %parallel_loop3A_733 = arith.shrui %parallel_loop3A_730, %parallel_loop3A_732 : vector<16xi32>
      %parallel_loop3A_734 = arith.constant 1 : i32
      %parallel_loop3A_735 = vector.broadcast %parallel_loop3A_734 : i32 to vector<16xi32>
      %parallel_loop3A_736 = arith.andi %parallel_loop3A_733, %parallel_loop3A_735 : vector<16xi32>
      %parallel_loop3A_737 = arith.constant 32767 : i32
      %parallel_loop3A_738 = vector.broadcast %parallel_loop3A_737 : i32 to vector<16xi32>
      %parallel_loop3A_739 = arith.addi %parallel_loop3A_730, %parallel_loop3A_738 : vector<16xi32>
      %parallel_loop3A_740 = arith.addi %parallel_loop3A_739, %parallel_loop3A_736 : vector<16xi32>
      %parallel_loop3A_741 = arith.constant -65536 : i32
      %parallel_loop3A_742 = vector.broadcast %parallel_loop3A_741 : i32 to vector<16xi32>
      %parallel_loop3A_743 = arith.andi %parallel_loop3A_740, %parallel_loop3A_742 : vector<16xi32>
      %parallel_loop3A_744 = tpu.bitcast %parallel_loop3A_743 : vector<16xi32> -> vector<16xf32>
      %parallel_loop3A_745 = arith.mulf %parallel_loop3A_710, %bitcast_convert_type3A_199 : vector<16xf32>
      %parallel_loop3A_746 = arith.mulf %parallel_loop3A_727, %bitcast_convert_type3A_214 : vector<16xf32>
      %parallel_loop3A_747 = arith.mulf %parallel_loop3A_744, %bitcast_convert_type3A_229 : vector<16xf32>
      %parallel_loop3A_748 = arith.addf %parallel_loop3A_745, %parallel_loop3A_746 : vector<16xf32>
      %parallel_loop3A_749 = arith.subf %parallel_loop3A_748, %parallel_loop3A_746 : vector<16xf32>
      %parallel_loop3A_750 = arith.subf %parallel_loop3A_748, %parallel_loop3A_749 : vector<16xf32>
      %parallel_loop3A_751 = arith.subf %parallel_loop3A_745, %parallel_loop3A_749 : vector<16xf32>
      %parallel_loop3A_752 = arith.subf %parallel_loop3A_746, %parallel_loop3A_750 : vector<16xf32>
      %parallel_loop3A_753 = arith.addf %parallel_loop3A_751, %parallel_loop3A_752 : vector<16xf32>
      %parallel_loop3A_754 = arith.addf %parallel_loop3A_748, %parallel_loop3A_747 : vector<16xf32>
      %parallel_loop3A_755 = arith.subf %parallel_loop3A_754, %parallel_loop3A_747 : vector<16xf32>
      %parallel_loop3A_756 = arith.subf %parallel_loop3A_754, %parallel_loop3A_755 : vector<16xf32>
      %parallel_loop3A_757 = arith.subf %parallel_loop3A_748, %parallel_loop3A_755 : vector<16xf32>
      %parallel_loop3A_758 = arith.subf %parallel_loop3A_747, %parallel_loop3A_756 : vector<16xf32>
      %parallel_loop3A_759 = arith.addf %parallel_loop3A_757, %parallel_loop3A_758 : vector<16xf32>
      %parallel_loop3A_760 = arith.addf %parallel_loop3A_754, %bitcast_convert_type3A_244 : vector<16xf32>
      %parallel_loop3A_761 = arith.subf %parallel_loop3A_760, %bitcast_convert_type3A_244 : vector<16xf32>
      %parallel_loop3A_762 = arith.subf %parallel_loop3A_760, %parallel_loop3A_761 : vector<16xf32>
      %parallel_loop3A_763 = arith.subf %parallel_loop3A_754, %parallel_loop3A_761 : vector<16xf32>
      %parallel_loop3A_764 = arith.subf %bitcast_convert_type3A_244, %parallel_loop3A_762 : vector<16xf32>
      %parallel_loop3A_765 = arith.addf %parallel_loop3A_763, %parallel_loop3A_764 : vector<16xf32>
      %parallel_loop3A_766 = arith.addf %parallel_loop3A_753, %parallel_loop3A_759 : vector<16xf32>
      %parallel_loop3A_767 = arith.addf %parallel_loop3A_766, %parallel_loop3A_765 : vector<16xf32>
      %parallel_loop3A_768 = arith.addf %parallel_loop3A_760, %parallel_loop3A_767 : vector<16xf32>
      %parallel_loop3A_769 = arith.mulf %parallel_loop3A_710, %bitcast_convert_type3A_259 : vector<16xf32>
      %parallel_loop3A_770 = arith.mulf %parallel_loop3A_727, %bitcast_convert_type3A_274 : vector<16xf32>
      %parallel_loop3A_771 = arith.mulf %parallel_loop3A_744, %bitcast_convert_type3A_289 : vector<16xf32>
      %parallel_loop3A_772 = arith.addf %parallel_loop3A_769, %parallel_loop3A_770 : vector<16xf32>
      %parallel_loop3A_773 = arith.subf %parallel_loop3A_772, %parallel_loop3A_770 : vector<16xf32>
      %parallel_loop3A_774 = arith.subf %parallel_loop3A_772, %parallel_loop3A_773 : vector<16xf32>
      %parallel_loop3A_775 = arith.subf %parallel_loop3A_769, %parallel_loop3A_773 : vector<16xf32>
      %parallel_loop3A_776 = arith.subf %parallel_loop3A_770, %parallel_loop3A_774 : vector<16xf32>
      %parallel_loop3A_777 = arith.addf %parallel_loop3A_775, %parallel_loop3A_776 : vector<16xf32>
      %parallel_loop3A_778 = arith.addf %parallel_loop3A_772, %parallel_loop3A_771 : vector<16xf32>
      %parallel_loop3A_779 = arith.subf %parallel_loop3A_778, %parallel_loop3A_771 : vector<16xf32>
      %parallel_loop3A_780 = arith.subf %parallel_loop3A_778, %parallel_loop3A_779 : vector<16xf32>
      %parallel_loop3A_781 = arith.subf %parallel_loop3A_772, %parallel_loop3A_779 : vector<16xf32>
      %parallel_loop3A_782 = arith.subf %parallel_loop3A_771, %parallel_loop3A_780 : vector<16xf32>
      %parallel_loop3A_783 = arith.addf %parallel_loop3A_781, %parallel_loop3A_782 : vector<16xf32>
      %parallel_loop3A_784 = arith.addf %parallel_loop3A_778, %bitcast_convert_type3A_304 : vector<16xf32>
      %parallel_loop3A_785 = arith.subf %parallel_loop3A_784, %bitcast_convert_type3A_304 : vector<16xf32>
      %parallel_loop3A_786 = arith.subf %parallel_loop3A_784, %parallel_loop3A_785 : vector<16xf32>
      %parallel_loop3A_787 = arith.subf %parallel_loop3A_778, %parallel_loop3A_785 : vector<16xf32>
      %parallel_loop3A_788 = arith.subf %bitcast_convert_type3A_304, %parallel_loop3A_786 : vector<16xf32>
      %parallel_loop3A_789 = arith.addf %parallel_loop3A_787, %parallel_loop3A_788 : vector<16xf32>
      %parallel_loop3A_790 = arith.addf %parallel_loop3A_777, %parallel_loop3A_783 : vector<16xf32>
      %parallel_loop3A_791 = arith.addf %parallel_loop3A_790, %parallel_loop3A_789 : vector<16xf32>
      %parallel_loop3A_792 = arith.addf %parallel_loop3A_784, %parallel_loop3A_791 : vector<16xf32>
      %parallel_loop3A_793 = arith.mulf %parallel_loop3A_710, %bitcast_convert_type3A_319 : vector<16xf32>
      %parallel_loop3A_794 = arith.mulf %parallel_loop3A_727, %bitcast_convert_type3A_334 : vector<16xf32>
      %parallel_loop3A_795 = arith.mulf %parallel_loop3A_744, %bitcast_convert_type3A_349 : vector<16xf32>
      %parallel_loop3A_796 = arith.addf %parallel_loop3A_793, %parallel_loop3A_794 : vector<16xf32>
      %parallel_loop3A_797 = arith.subf %parallel_loop3A_796, %parallel_loop3A_794 : vector<16xf32>
      %parallel_loop3A_798 = arith.subf %parallel_loop3A_796, %parallel_loop3A_797 : vector<16xf32>
      %parallel_loop3A_799 = arith.subf %parallel_loop3A_793, %parallel_loop3A_797 : vector<16xf32>
      %parallel_loop3A_800 = arith.subf %parallel_loop3A_794, %parallel_loop3A_798 : vector<16xf32>
      %parallel_loop3A_801 = arith.addf %parallel_loop3A_799, %parallel_loop3A_800 : vector<16xf32>
      %parallel_loop3A_802 = arith.addf %parallel_loop3A_796, %parallel_loop3A_795 : vector<16xf32>
      %parallel_loop3A_803 = arith.subf %parallel_loop3A_802, %parallel_loop3A_795 : vector<16xf32>
      %parallel_loop3A_804 = arith.subf %parallel_loop3A_802, %parallel_loop3A_803 : vector<16xf32>
      %parallel_loop3A_805 = arith.subf %parallel_loop3A_796, %parallel_loop3A_803 : vector<16xf32>
      %parallel_loop3A_806 = arith.subf %parallel_loop3A_795, %parallel_loop3A_804 : vector<16xf32>
      %parallel_loop3A_807 = arith.addf %parallel_loop3A_805, %parallel_loop3A_806 : vector<16xf32>
      %parallel_loop3A_808 = arith.addf %parallel_loop3A_802, %bitcast_convert_type3A_364 : vector<16xf32>
      %parallel_loop3A_809 = arith.subf %parallel_loop3A_808, %bitcast_convert_type3A_364 : vector<16xf32>
      %parallel_loop3A_810 = arith.subf %parallel_loop3A_808, %parallel_loop3A_809 : vector<16xf32>
      %parallel_loop3A_811 = arith.subf %parallel_loop3A_802, %parallel_loop3A_809 : vector<16xf32>
      %parallel_loop3A_812 = arith.subf %bitcast_convert_type3A_364, %parallel_loop3A_810 : vector<16xf32>
      %parallel_loop3A_813 = arith.addf %parallel_loop3A_811, %parallel_loop3A_812 : vector<16xf32>
      %parallel_loop3A_814 = arith.addf %parallel_loop3A_801, %parallel_loop3A_807 : vector<16xf32>
      %parallel_loop3A_815 = arith.addf %parallel_loop3A_814, %parallel_loop3A_813 : vector<16xf32>
      %parallel_loop3A_816 = arith.addf %parallel_loop3A_808, %parallel_loop3A_815 : vector<16xf32>
      %parallel_loop3A_817 = arith.mulf %parallel_loop3A_710, %bitcast_convert_type3A_379 : vector<16xf32>
      %parallel_loop3A_818 = arith.mulf %parallel_loop3A_727, %bitcast_convert_type3A_394 : vector<16xf32>
      %parallel_loop3A_819 = arith.mulf %parallel_loop3A_744, %bitcast_convert_type3A_409 : vector<16xf32>
      %parallel_loop3A_820 = arith.addf %parallel_loop3A_817, %parallel_loop3A_818 : vector<16xf32>
      %parallel_loop3A_821 = arith.subf %parallel_loop3A_820, %parallel_loop3A_818 : vector<16xf32>
      %parallel_loop3A_822 = arith.subf %parallel_loop3A_820, %parallel_loop3A_821 : vector<16xf32>
      %parallel_loop3A_823 = arith.subf %parallel_loop3A_817, %parallel_loop3A_821 : vector<16xf32>
      %parallel_loop3A_824 = arith.subf %parallel_loop3A_818, %parallel_loop3A_822 : vector<16xf32>
      %parallel_loop3A_825 = arith.addf %parallel_loop3A_823, %parallel_loop3A_824 : vector<16xf32>
      %parallel_loop3A_826 = arith.addf %parallel_loop3A_820, %parallel_loop3A_819 : vector<16xf32>
      %parallel_loop3A_827 = arith.subf %parallel_loop3A_826, %parallel_loop3A_819 : vector<16xf32>
      %parallel_loop3A_828 = arith.subf %parallel_loop3A_826, %parallel_loop3A_827 : vector<16xf32>
      %parallel_loop3A_829 = arith.subf %parallel_loop3A_820, %parallel_loop3A_827 : vector<16xf32>
      %parallel_loop3A_830 = arith.subf %parallel_loop3A_819, %parallel_loop3A_828 : vector<16xf32>
      %parallel_loop3A_831 = arith.addf %parallel_loop3A_829, %parallel_loop3A_830 : vector<16xf32>
      %parallel_loop3A_832 = arith.addf %parallel_loop3A_826, %bitcast_convert_type3A_424 : vector<16xf32>
      %parallel_loop3A_833 = arith.subf %parallel_loop3A_832, %bitcast_convert_type3A_424 : vector<16xf32>
      %parallel_loop3A_834 = arith.subf %parallel_loop3A_832, %parallel_loop3A_833 : vector<16xf32>
      %parallel_loop3A_835 = arith.subf %parallel_loop3A_826, %parallel_loop3A_833 : vector<16xf32>
      %parallel_loop3A_836 = arith.subf %bitcast_convert_type3A_424, %parallel_loop3A_834 : vector<16xf32>
      %parallel_loop3A_837 = arith.addf %parallel_loop3A_835, %parallel_loop3A_836 : vector<16xf32>
      %parallel_loop3A_838 = arith.addf %parallel_loop3A_825, %parallel_loop3A_831 : vector<16xf32>
      %parallel_loop3A_839 = arith.addf %parallel_loop3A_838, %parallel_loop3A_837 : vector<16xf32>
      %parallel_loop3A_840 = arith.addf %parallel_loop3A_832, %parallel_loop3A_839 : vector<16xf32>
      %parallel_loop3A_841 = math.absf %parallel_loop3A_840 : vector<16xf32>
      %parallel_loop3A_842 = arith.cmpf ogt, %parallel_loop3A_841, %broadcast_in_dim3A_182 : vector<16xf32>
      %parallel_loop3A_843 = arith.select %parallel_loop3A_842, %parallel_loop3A_840, %broadcast_in_dim3A_182 : vector<16xi1>, vector<16xf32>
      %parallel_loop3A_844 = arith.divf %parallel_loop3A_768, %parallel_loop3A_843 : vector<16xf32>
      %parallel_loop3A_845 = tpu.bitcast %parallel_loop3A_844 : vector<16xf32> -> vector<16xi32>
      %parallel_loop3A_846 = arith.constant 16 : i32
      %parallel_loop3A_847 = vector.broadcast %parallel_loop3A_846 : i32 to vector<16xi32>
      %parallel_loop3A_848 = arith.shrui %parallel_loop3A_845, %parallel_loop3A_847 : vector<16xi32>
      %parallel_loop3A_849 = arith.constant 1 : i32
      %parallel_loop3A_850 = vector.broadcast %parallel_loop3A_849 : i32 to vector<16xi32>
      %parallel_loop3A_851 = arith.andi %parallel_loop3A_848, %parallel_loop3A_850 : vector<16xi32>
      %parallel_loop3A_852 = arith.constant 32767 : i32
      %parallel_loop3A_853 = vector.broadcast %parallel_loop3A_852 : i32 to vector<16xi32>
      %parallel_loop3A_854 = arith.addi %parallel_loop3A_845, %parallel_loop3A_853 : vector<16xi32>
      %parallel_loop3A_855 = arith.addi %parallel_loop3A_854, %parallel_loop3A_851 : vector<16xi32>
      %parallel_loop3A_856 = arith.constant -65536 : i32
      %parallel_loop3A_857 = vector.broadcast %parallel_loop3A_856 : i32 to vector<16xi32>
      %parallel_loop3A_858 = arith.andi %parallel_loop3A_855, %parallel_loop3A_857 : vector<16xi32>
      %parallel_loop3A_859 = tpu.bitcast %parallel_loop3A_858 : vector<16xi32> -> vector<16xf32>
      %parallel_loop3A_860 = arith.divf %parallel_loop3A_792, %parallel_loop3A_843 : vector<16xf32>
      %parallel_loop3A_861 = tpu.bitcast %parallel_loop3A_860 : vector<16xf32> -> vector<16xi32>
      %parallel_loop3A_862 = arith.constant 16 : i32
      %parallel_loop3A_863 = vector.broadcast %parallel_loop3A_862 : i32 to vector<16xi32>
      %parallel_loop3A_864 = arith.shrui %parallel_loop3A_861, %parallel_loop3A_863 : vector<16xi32>
      %parallel_loop3A_865 = arith.constant 1 : i32
      %parallel_loop3A_866 = vector.broadcast %parallel_loop3A_865 : i32 to vector<16xi32>
      %parallel_loop3A_867 = arith.andi %parallel_loop3A_864, %parallel_loop3A_866 : vector<16xi32>
      %parallel_loop3A_868 = arith.constant 32767 : i32
      %parallel_loop3A_869 = vector.broadcast %parallel_loop3A_868 : i32 to vector<16xi32>
      %parallel_loop3A_870 = arith.addi %parallel_loop3A_861, %parallel_loop3A_869 : vector<16xi32>
      %parallel_loop3A_871 = arith.addi %parallel_loop3A_870, %parallel_loop3A_867 : vector<16xi32>
      %parallel_loop3A_872 = arith.constant -65536 : i32
      %parallel_loop3A_873 = vector.broadcast %parallel_loop3A_872 : i32 to vector<16xi32>
      %parallel_loop3A_874 = arith.andi %parallel_loop3A_871, %parallel_loop3A_873 : vector<16xi32>
      %parallel_loop3A_875 = tpu.bitcast %parallel_loop3A_874 : vector<16xi32> -> vector<16xf32>
      %parallel_loop3A_876 = arith.divf %parallel_loop3A_816, %parallel_loop3A_843 : vector<16xf32>
      %parallel_loop3A_877 = tpu.bitcast %parallel_loop3A_876 : vector<16xf32> -> vector<16xi32>
      %parallel_loop3A_878 = arith.constant 16 : i32
      %parallel_loop3A_879 = vector.broadcast %parallel_loop3A_878 : i32 to vector<16xi32>
      %parallel_loop3A_880 = arith.shrui %parallel_loop3A_877, %parallel_loop3A_879 : vector<16xi32>
      %parallel_loop3A_881 = arith.constant 1 : i32
      %parallel_loop3A_882 = vector.broadcast %parallel_loop3A_881 : i32 to vector<16xi32>
      %parallel_loop3A_883 = arith.andi %parallel_loop3A_880, %parallel_loop3A_882 : vector<16xi32>
      %parallel_loop3A_884 = arith.constant 32767 : i32
      %parallel_loop3A_885 = vector.broadcast %parallel_loop3A_884 : i32 to vector<16xi32>
      %parallel_loop3A_886 = arith.addi %parallel_loop3A_877, %parallel_loop3A_885 : vector<16xi32>
      %parallel_loop3A_887 = arith.addi %parallel_loop3A_886, %parallel_loop3A_883 : vector<16xi32>
      %parallel_loop3A_888 = arith.constant -65536 : i32
      %parallel_loop3A_889 = vector.broadcast %parallel_loop3A_888 : i32 to vector<16xi32>
      %parallel_loop3A_890 = arith.andi %parallel_loop3A_887, %parallel_loop3A_889 : vector<16xi32>
      %parallel_loop3A_891 = tpu.bitcast %parallel_loop3A_890 : vector<16xi32> -> vector<16xf32>
      %parallel_loop3A_892 = arith.mulf %parallel_loop3A_859, %bitcast_convert_type3A_439 : vector<16xf32>
      %parallel_loop3A_893 = arith.mulf %parallel_loop3A_875, %bitcast_convert_type3A_454 : vector<16xf32>
      %parallel_loop3A_894 = arith.mulf %parallel_loop3A_891, %bitcast_convert_type3A_469 : vector<16xf32>
      %parallel_loop3A_895 = arith.addf %parallel_loop3A_892, %parallel_loop3A_893 : vector<16xf32>
      %parallel_loop3A_896 = arith.subf %parallel_loop3A_895, %parallel_loop3A_893 : vector<16xf32>
      %parallel_loop3A_897 = arith.subf %parallel_loop3A_895, %parallel_loop3A_896 : vector<16xf32>
      %parallel_loop3A_898 = arith.subf %parallel_loop3A_892, %parallel_loop3A_896 : vector<16xf32>
      %parallel_loop3A_899 = arith.subf %parallel_loop3A_893, %parallel_loop3A_897 : vector<16xf32>
      %parallel_loop3A_900 = arith.addf %parallel_loop3A_898, %parallel_loop3A_899 : vector<16xf32>
      %parallel_loop3A_901 = arith.addf %parallel_loop3A_895, %parallel_loop3A_894 : vector<16xf32>
      %parallel_loop3A_902 = arith.subf %parallel_loop3A_901, %parallel_loop3A_894 : vector<16xf32>
      %parallel_loop3A_903 = arith.subf %parallel_loop3A_901, %parallel_loop3A_902 : vector<16xf32>
      %parallel_loop3A_904 = arith.subf %parallel_loop3A_895, %parallel_loop3A_902 : vector<16xf32>
      %parallel_loop3A_905 = arith.subf %parallel_loop3A_894, %parallel_loop3A_903 : vector<16xf32>
      %parallel_loop3A_906 = arith.addf %parallel_loop3A_904, %parallel_loop3A_905 : vector<16xf32>
      %parallel_loop3A_907 = arith.addf %parallel_loop3A_901, %bitcast_convert_type3A_484 : vector<16xf32>
      %parallel_loop3A_908 = arith.subf %parallel_loop3A_907, %bitcast_convert_type3A_484 : vector<16xf32>
      %parallel_loop3A_909 = arith.subf %parallel_loop3A_907, %parallel_loop3A_908 : vector<16xf32>
      %parallel_loop3A_910 = arith.subf %parallel_loop3A_901, %parallel_loop3A_908 : vector<16xf32>
      %parallel_loop3A_911 = arith.subf %bitcast_convert_type3A_484, %parallel_loop3A_909 : vector<16xf32>
      %parallel_loop3A_912 = arith.addf %parallel_loop3A_910, %parallel_loop3A_911 : vector<16xf32>
      %parallel_loop3A_913 = arith.addf %parallel_loop3A_900, %parallel_loop3A_906 : vector<16xf32>
      %parallel_loop3A_914 = arith.addf %parallel_loop3A_913, %parallel_loop3A_912 : vector<16xf32>
      %parallel_loop3A_915 = arith.addf %parallel_loop3A_907, %parallel_loop3A_914 : vector<16xf32>
      %parallel_loop3A_916 = arith.mulf %parallel_loop3A_859, %bitcast_convert_type3A_499 : vector<16xf32>
      %parallel_loop3A_917 = arith.mulf %parallel_loop3A_875, %bitcast_convert_type3A_514 : vector<16xf32>
      %parallel_loop3A_918 = arith.mulf %parallel_loop3A_891, %bitcast_convert_type3A_529 : vector<16xf32>
      %parallel_loop3A_919 = arith.addf %parallel_loop3A_916, %parallel_loop3A_917 : vector<16xf32>
      %parallel_loop3A_920 = arith.subf %parallel_loop3A_919, %parallel_loop3A_917 : vector<16xf32>
      %parallel_loop3A_921 = arith.subf %parallel_loop3A_919, %parallel_loop3A_920 : vector<16xf32>
      %parallel_loop3A_922 = arith.subf %parallel_loop3A_916, %parallel_loop3A_920 : vector<16xf32>
      %parallel_loop3A_923 = arith.subf %parallel_loop3A_917, %parallel_loop3A_921 : vector<16xf32>
      %parallel_loop3A_924 = arith.addf %parallel_loop3A_922, %parallel_loop3A_923 : vector<16xf32>
      %parallel_loop3A_925 = arith.addf %parallel_loop3A_919, %parallel_loop3A_918 : vector<16xf32>
      %parallel_loop3A_926 = arith.subf %parallel_loop3A_925, %parallel_loop3A_918 : vector<16xf32>
      %parallel_loop3A_927 = arith.subf %parallel_loop3A_925, %parallel_loop3A_926 : vector<16xf32>
      %parallel_loop3A_928 = arith.subf %parallel_loop3A_919, %parallel_loop3A_926 : vector<16xf32>
      %parallel_loop3A_929 = arith.subf %parallel_loop3A_918, %parallel_loop3A_927 : vector<16xf32>
      %parallel_loop3A_930 = arith.addf %parallel_loop3A_928, %parallel_loop3A_929 : vector<16xf32>
      %parallel_loop3A_931 = arith.addf %parallel_loop3A_925, %bitcast_convert_type3A_544 : vector<16xf32>
      %parallel_loop3A_932 = arith.subf %parallel_loop3A_931, %bitcast_convert_type3A_544 : vector<16xf32>
      %parallel_loop3A_933 = arith.subf %parallel_loop3A_931, %parallel_loop3A_932 : vector<16xf32>
      %parallel_loop3A_934 = arith.subf %parallel_loop3A_925, %parallel_loop3A_932 : vector<16xf32>
      %parallel_loop3A_935 = arith.subf %bitcast_convert_type3A_544, %parallel_loop3A_933 : vector<16xf32>
      %parallel_loop3A_936 = arith.addf %parallel_loop3A_934, %parallel_loop3A_935 : vector<16xf32>
      %parallel_loop3A_937 = arith.addf %parallel_loop3A_924, %parallel_loop3A_930 : vector<16xf32>
      %parallel_loop3A_938 = arith.addf %parallel_loop3A_937, %parallel_loop3A_936 : vector<16xf32>
      %parallel_loop3A_939 = arith.addf %parallel_loop3A_931, %parallel_loop3A_938 : vector<16xf32>
      %parallel_loop3A_940 = arith.mulf %parallel_loop3A_859, %bitcast_convert_type3A_559 : vector<16xf32>
      %parallel_loop3A_941 = arith.mulf %parallel_loop3A_875, %bitcast_convert_type3A_574 : vector<16xf32>
      %parallel_loop3A_942 = arith.mulf %parallel_loop3A_891, %bitcast_convert_type3A_589 : vector<16xf32>
      %parallel_loop3A_943 = arith.addf %parallel_loop3A_940, %parallel_loop3A_941 : vector<16xf32>
      %parallel_loop3A_944 = arith.subf %parallel_loop3A_943, %parallel_loop3A_941 : vector<16xf32>
      %parallel_loop3A_945 = arith.subf %parallel_loop3A_943, %parallel_loop3A_944 : vector<16xf32>
      %parallel_loop3A_946 = arith.subf %parallel_loop3A_940, %parallel_loop3A_944 : vector<16xf32>
      %parallel_loop3A_947 = arith.subf %parallel_loop3A_941, %parallel_loop3A_945 : vector<16xf32>
      %parallel_loop3A_948 = arith.addf %parallel_loop3A_946, %parallel_loop3A_947 : vector<16xf32>
      %parallel_loop3A_949 = arith.addf %parallel_loop3A_943, %parallel_loop3A_942 : vector<16xf32>
      %parallel_loop3A_950 = arith.subf %parallel_loop3A_949, %parallel_loop3A_942 : vector<16xf32>
      %parallel_loop3A_951 = arith.subf %parallel_loop3A_949, %parallel_loop3A_950 : vector<16xf32>
      %parallel_loop3A_952 = arith.subf %parallel_loop3A_943, %parallel_loop3A_950 : vector<16xf32>
      %parallel_loop3A_953 = arith.subf %parallel_loop3A_942, %parallel_loop3A_951 : vector<16xf32>
      %parallel_loop3A_954 = arith.addf %parallel_loop3A_952, %parallel_loop3A_953 : vector<16xf32>
      %parallel_loop3A_955 = arith.addf %parallel_loop3A_949, %bitcast_convert_type3A_604 : vector<16xf32>
      %parallel_loop3A_956 = arith.subf %parallel_loop3A_955, %bitcast_convert_type3A_604 : vector<16xf32>
      %parallel_loop3A_957 = arith.subf %parallel_loop3A_955, %parallel_loop3A_956 : vector<16xf32>
      %parallel_loop3A_958 = arith.subf %parallel_loop3A_949, %parallel_loop3A_956 : vector<16xf32>
      %parallel_loop3A_959 = arith.subf %bitcast_convert_type3A_604, %parallel_loop3A_957 : vector<16xf32>
      %parallel_loop3A_960 = arith.addf %parallel_loop3A_958, %parallel_loop3A_959 : vector<16xf32>
      %parallel_loop3A_961 = arith.addf %parallel_loop3A_948, %parallel_loop3A_954 : vector<16xf32>
      %parallel_loop3A_962 = arith.addf %parallel_loop3A_961, %parallel_loop3A_960 : vector<16xf32>
      %parallel_loop3A_963 = arith.addf %parallel_loop3A_955, %parallel_loop3A_962 : vector<16xf32>
      %parallel_loop3A_964 = math.absf %parallel_loop3A_963 : vector<16xf32>
      %parallel_loop3A_965 = arith.cmpf ogt, %parallel_loop3A_964, %broadcast_in_dim3A_182 : vector<16xf32>
      %parallel_loop3A_966 = arith.select %parallel_loop3A_965, %parallel_loop3A_963, %broadcast_in_dim3A_182 : vector<16xi1>, vector<16xf32>
      %parallel_loop3A_967 = arith.divf %parallel_loop3A_915, %parallel_loop3A_966 : vector<16xf32>
      %parallel_loop3A_968 = arith.mulf %parallel_loop3A_967, %broadcast_in_dim3A_184 : vector<16xf32>
      %parallel_loop3A_969 = arith.divf %parallel_loop3A_939, %parallel_loop3A_966 : vector<16xf32>
      %parallel_loop3A_970 = arith.mulf %parallel_loop3A_969, %broadcast_in_dim3A_184 : vector<16xf32>
      %parallel_loop3A_971 = arith.subf %parallel_loop3A_963, %get3A_94 : vector<16xf32>
      %parallel_loop3A_972 = arith.cmpf oge, %parallel_loop3A_968, %broadcast_in_dim3A_186 : vector<16xf32>
      %parallel_loop3A_973 = arith.cmpf olt, %parallel_loop3A_968, %convert_element_type3A_133 : vector<16xf32>
      %parallel_loop3A_974 = arith.andi %parallel_loop3A_972, %parallel_loop3A_973 : vector<16xi1>
      %parallel_loop3A_975 = arith.cmpf oge, %parallel_loop3A_970, %broadcast_in_dim3A_186 : vector<16xf32>
      %parallel_loop3A_976 = arith.andi %parallel_loop3A_974, %parallel_loop3A_975 : vector<16xi1>
      %parallel_loop3A_977 = arith.cmpf olt, %parallel_loop3A_970, %convert_element_type3A_169 : vector<16xf32>
      %parallel_loop3A_978 = arith.andi %parallel_loop3A_976, %parallel_loop3A_977 : vector<16xi1>
      %parallel_loop3A_979 = arith.constant 0.000000e+00 : f32
      %parallel_loop3A_980 = arith.constant 1.000000e+05 : f32
      %parallel_loop3A_981 = vector.broadcast %parallel_loop3A_979 : f32 to vector<16xf32>
      %parallel_loop3A_982 = arith.maximumf %parallel_loop3A_981, %parallel_loop3A_968 : vector<16xf32>
      %parallel_loop3A_983 = vector.broadcast %parallel_loop3A_980 : f32 to vector<16xf32>
      %parallel_loop3A_984 = arith.minimumf %parallel_loop3A_983, %parallel_loop3A_982 : vector<16xf32>
      %parallel_loop3A_985 = arith.fptosi %parallel_loop3A_984 : vector<16xf32> to vector<16xi32>
      %parallel_loop3A_986 = arith.constant 0.000000e+00 : f32
      %parallel_loop3A_987 = arith.constant 1.000000e+05 : f32
      %parallel_loop3A_988 = vector.broadcast %parallel_loop3A_986 : f32 to vector<16xf32>
      %parallel_loop3A_989 = arith.maximumf %parallel_loop3A_988, %parallel_loop3A_970 : vector<16xf32>
      %parallel_loop3A_990 = vector.broadcast %parallel_loop3A_987 : f32 to vector<16xf32>
      %parallel_loop3A_991 = arith.minimumf %parallel_loop3A_990, %parallel_loop3A_989 : vector<16xf32>
      %parallel_loop3A_992 = arith.fptosi %parallel_loop3A_991 : vector<16xf32> to vector<16xi32>
      %parallel_loop3A_993 = arith.constant 0 : i32
      %parallel_loop3A_994 = vector.broadcast %parallel_loop3A_993 : i32 to vector<16xi32>
      %parallel_loop3A_995 = arith.select %parallel_loop3A_978, %parallel_loop3A_985, %parallel_loop3A_994 : vector<16xi1>, vector<16xi32>
      %parallel_loop3A_996 = arith.select %parallel_loop3A_978, %parallel_loop3A_992, %parallel_loop3A_994 : vector<16xi1>, vector<16xi32>
      %parallel_loop3A_997 = arith.constant 0.000000e+00 : f32
      %parallel_loop3A_998 = vector.broadcast %parallel_loop3A_997 : f32 to vector<16xf32>
      %parallel_loop3A_999 = arith.select %parallel_loop3A_978, %parallel_loop3A_971, %parallel_loop3A_998 : vector<16xi1>, vector<16xf32>
      %parallel_loop3A_1000 = arith.select %parallel_loop3A_978, %parallel_loop3A_645, %parallel_loop3A_994 : vector<16xi1>, vector<16xi32>
      %parallel_loop3A_1001 = arith.select %parallel_loop3A_978, %parallel_loop3A_636, %parallel_loop3A_994 : vector<16xi1>, vector<16xi32>
      %parallel_loop3A_1002 = arith.select %parallel_loop3A_978, %parallel_loop3A_627, %parallel_loop3A_994 : vector<16xi1>, vector<16xi32>
      %parallel_loop3A_1003 = arith.constant 1 : i32
      %parallel_loop3A_1004 = vector.broadcast %parallel_loop3A_1003 : i32 to vector<16xi32>
      %parallel_loop3A_1005 = arith.select %parallel_loop3A_978, %parallel_loop3A_1004, %parallel_loop3A_994 : vector<16xi1>, vector<16xi32>
      %parallel_loop3A_1006 = arith.constant 32 : i32
      %parallel_loop3A_1007 = arith.muli %parallel_loop3A_616, %parallel_loop3A_1006 : i32
      %parallel_loop3A_1008 = arith.constant 2 : i32
      %parallel_loop3A_1009 = vector.broadcast %parallel_loop3A_1008 : i32 to vector<16xi32>
      %parallel_loop3A_1010 = arith.muli %iota3A, %parallel_loop3A_1009 : vector<16xi32>
      %parallel_loop3A_1011 = vector.broadcast %parallel_loop3A_1007 : i32 to vector<16xi32>
      %parallel_loop3A_1012 = arith.addi %parallel_loop3A_1011, %parallel_loop3A_1010 : vector<16xi32>
      tpu.vector_store_idx %arg10[%parallel_loop3A_1012], %parallel_loop3A_995 : memref<5024xi32, #tpu.memory_space<vmem>>[vector<16xi32>], vector<16xi32>,
      %parallel_loop3A_1013 = arith.constant 32 : i32
      %parallel_loop3A_1014 = arith.muli %parallel_loop3A_616, %parallel_loop3A_1013 : i32
      %parallel_loop3A_1015 = arith.constant 2 : i32
      %parallel_loop3A_1016 = vector.broadcast %parallel_loop3A_1015 : i32 to vector<16xi32>
      %parallel_loop3A_1017 = arith.muli %iota3A, %parallel_loop3A_1016 : vector<16xi32>
      %parallel_loop3A_1018 = vector.broadcast %parallel_loop3A_1014 : i32 to vector<16xi32>
      %parallel_loop3A_1019 = arith.addi %parallel_loop3A_1018, %parallel_loop3A_1017 : vector<16xi32>
      %parallel_loop3A_1020 = arith.constant 1 : i32
      %parallel_loop3A_1021 = vector.broadcast %parallel_loop3A_1020 : i32 to vector<16xi32>
      %parallel_loop3A_1022 = arith.addi %parallel_loop3A_1019, %parallel_loop3A_1021 : vector<16xi32>
      tpu.vector_store_idx %arg10[%parallel_loop3A_1022], %parallel_loop3A_996 : memref<5024xi32, #tpu.memory_space<vmem>>[vector<16xi32>], vector<16xi32>,
      %parallel_loop3A_1023 = arith.constant 48 : i32
      %parallel_loop3A_1024 = arith.muli %parallel_loop3A_616, %parallel_loop3A_1023 : i32
      %parallel_loop3A_1025 = arith.constant 3 : i32
      %parallel_loop3A_1026 = vector.broadcast %parallel_loop3A_1025 : i32 to vector<16xi32>
      %parallel_loop3A_1027 = arith.muli %iota3A, %parallel_loop3A_1026 : vector<16xi32>
      %parallel_loop3A_1028 = vector.broadcast %parallel_loop3A_1024 : i32 to vector<16xi32>
      %parallel_loop3A_1029 = arith.addi %parallel_loop3A_1028, %parallel_loop3A_1027 : vector<16xi32>
      tpu.vector_store_idx %arg12[%parallel_loop3A_1029], %parallel_loop3A_1000 : memref<7536xi32, #tpu.memory_space<vmem>>[vector<16xi32>], vector<16xi32>,
      %parallel_loop3A_1030 = arith.constant 48 : i32
      %parallel_loop3A_1031 = arith.muli %parallel_loop3A_616, %parallel_loop3A_1030 : i32
      %parallel_loop3A_1032 = arith.constant 3 : i32
      %parallel_loop3A_1033 = vector.broadcast %parallel_loop3A_1032 : i32 to vector<16xi32>
      %parallel_loop3A_1034 = arith.muli %iota3A, %parallel_loop3A_1033 : vector<16xi32>
      %parallel_loop3A_1035 = vector.broadcast %parallel_loop3A_1031 : i32 to vector<16xi32>
      %parallel_loop3A_1036 = arith.addi %parallel_loop3A_1035, %parallel_loop3A_1034 : vector<16xi32>
      %parallel_loop3A_1037 = arith.constant 1 : i32
      %parallel_loop3A_1038 = vector.broadcast %parallel_loop3A_1037 : i32 to vector<16xi32>
      %parallel_loop3A_1039 = arith.addi %parallel_loop3A_1036, %parallel_loop3A_1038 : vector<16xi32>
      tpu.vector_store_idx %arg12[%parallel_loop3A_1039], %parallel_loop3A_1001 : memref<7536xi32, #tpu.memory_space<vmem>>[vector<16xi32>], vector<16xi32>,
      %parallel_loop3A_1040 = arith.constant 48 : i32
      %parallel_loop3A_1041 = arith.muli %parallel_loop3A_616, %parallel_loop3A_1040 : i32
      %parallel_loop3A_1042 = arith.constant 3 : i32
      %parallel_loop3A_1043 = vector.broadcast %parallel_loop3A_1042 : i32 to vector<16xi32>
      %parallel_loop3A_1044 = arith.muli %iota3A, %parallel_loop3A_1043 : vector<16xi32>
      %parallel_loop3A_1045 = vector.broadcast %parallel_loop3A_1041 : i32 to vector<16xi32>
      %parallel_loop3A_1046 = arith.addi %parallel_loop3A_1045, %parallel_loop3A_1044 : vector<16xi32>
      %parallel_loop3A_1047 = arith.constant 2 : i32
      %parallel_loop3A_1048 = vector.broadcast %parallel_loop3A_1047 : i32 to vector<16xi32>
      %parallel_loop3A_1049 = arith.addi %parallel_loop3A_1046, %parallel_loop3A_1048 : vector<16xi32>
      tpu.vector_store_idx %arg12[%parallel_loop3A_1049], %parallel_loop3A_1002 : memref<7536xi32, #tpu.memory_space<vmem>>[vector<16xi32>], vector<16xi32>,
      %parallel_loop3A_1050 = arith.constant 16 : i32
      %parallel_loop3A_1051 = arith.muli %parallel_loop3A_616, %parallel_loop3A_1050 : i32
      %parallel_loop3A_1052 = arith.index_cast %parallel_loop3A_1051 : i32 to index
      %parallel_loop3A_1053 = tpu.vector_load %arg11[%parallel_loop3A_1052] {strides = array<i32>} : memref<2512xf32, #tpu.memory_space<vmem>>, vector<16xf32>,
      tpu.vector_store %arg11[%parallel_loop3A_1052], %parallel_loop3A_999 {strides = array<i32>} : memref<2512xf32, #tpu.memory_space<vmem>>, vector<16xf32>,
      %parallel_loop3A_1054 = arith.constant 16 : i32
      %parallel_loop3A_1055 = arith.muli %parallel_loop3A_616, %parallel_loop3A_1054 : i32
      %parallel_loop3A_1056 = arith.index_cast %parallel_loop3A_1055 : i32 to index
      %parallel_loop3A_1057 = tpu.vector_load %arg13[%parallel_loop3A_1056] {strides = array<i32>} : memref<2512xi32, #tpu.memory_space<vmem>>, vector<16xi32>,
      tpu.vector_store %arg13[%parallel_loop3A_1056], %parallel_loop3A_1005 {strides = array<i32>} : memref<2512xi32, #tpu.memory_space<vmem>>, vector<16xi32>,
    } {sc.loop_unroll_factor = 4 : i64, sc.parallel_access}
    %lt3A_607 = arith.constant 7 : i32
    %lt3A_608 = arith.cmpi slt, %select_n3A_30, %lt3A_607 : i32
    %convert_element_type3A_609 = arith.extui %lt3A_608 : i1 to i32
    %cond3A = arith.constant 0 : i32
    %cond3A_610 = arith.cmpi ne, %convert_element_type3A_609, %cond3A : i32
    scf.if %cond3A_610 {
      %mul3A_616 = arith.constant 2 : i32
      %mul3A_617 = arith.muli %add3A_35, %mul3A_616 : i32
      "tpu.region"() ({
        %run_scoped3A = tpu.sem_alloc : memref<!tpu.dma_semaphore, #tpu.memory_space<semaphore_mem>>
        %dma_start3A = tpu.memref_slice %arg4[%mul3A_617] : memref<160000xi32, #tpu.memory_space<hbm>> -> memref<5024xi32, #tpu.memory_space<hbm>>
        %dma_start3A_620 = tpu.memref_slice %arg4[%mul3A_617] : memref<160000xi32, #tpu.memory_space<hbm>> -> memref<5024xi32, #tpu.memory_space<hbm>>
        tpu.enqueue_dma source(%arg10 : memref<5024xi32, #tpu.memory_space<vmem>>) target(%dma_start3A_620 : memref<5024xi32, #tpu.memory_space<hbm>>) target_semaphore(%run_scoped3A : memref<!tpu.dma_semaphore, #tpu.memory_space<semaphore_mem>>)
        %dma_wait3A = tpu.memref_slice %arg4[%mul3A_617] : memref<160000xi32, #tpu.memory_space<hbm>> -> memref<5024xi32, #tpu.memory_space<hbm>>
        %dma_wait3A_621 = tpu.memref_slice %arg4[%mul3A_617] : memref<160000xi32, #tpu.memory_space<hbm>> -> memref<5024xi32, #tpu.memory_space<hbm>>
        tpu.wait_dma2 semaphore(%run_scoped3A : memref<!tpu.dma_semaphore, #tpu.memory_space<semaphore_mem>>) src(%arg10 : memref<5024xi32, #tpu.memory_space<vmem>>) dst(%dma_wait3A_621 : memref<5024xi32, #tpu.memory_space<hbm>>)
        tpu.yield
      }) : () -> ()
      %mul3A_618 = arith.constant 3 : i32
      %mul3A_619 = arith.muli %add3A_35, %mul3A_618 : i32
      "tpu.region"() ({
        %run_scoped3A = tpu.sem_alloc : memref<!tpu.dma_semaphore, #tpu.memory_space<semaphore_mem>>
        %dma_start3A = tpu.memref_slice %arg6[%mul3A_619] : memref<240000xi32, #tpu.memory_space<hbm>> -> memref<7536xi32, #tpu.memory_space<hbm>>
        %dma_start3A_620 = tpu.memref_slice %arg6[%mul3A_619] : memref<240000xi32, #tpu.memory_space<hbm>> -> memref<7536xi32, #tpu.memory_space<hbm>>
        tpu.enqueue_dma source(%arg12 : memref<7536xi32, #tpu.memory_space<vmem>>) target(%dma_start3A_620 : memref<7536xi32, #tpu.memory_space<hbm>>) target_semaphore(%run_scoped3A : memref<!tpu.dma_semaphore, #tpu.memory_space<semaphore_mem>>)
        %dma_wait3A = tpu.memref_slice %arg6[%mul3A_619] : memref<240000xi32, #tpu.memory_space<hbm>> -> memref<7536xi32, #tpu.memory_space<hbm>>
        %dma_wait3A_621 = tpu.memref_slice %arg6[%mul3A_619] : memref<240000xi32, #tpu.memory_space<hbm>> -> memref<7536xi32, #tpu.memory_space<hbm>>
        tpu.wait_dma2 semaphore(%run_scoped3A : memref<!tpu.dma_semaphore, #tpu.memory_space<semaphore_mem>>) src(%arg12 : memref<7536xi32, #tpu.memory_space<vmem>>) dst(%dma_wait3A_621 : memref<7536xi32, #tpu.memory_space<hbm>>)
        tpu.yield
      }) : () -> ()
      "tpu.region"() ({
        %run_scoped3A = tpu.sem_alloc : memref<!tpu.dma_semaphore, #tpu.memory_space<semaphore_mem>>
        %dma_start3A = tpu.memref_slice %arg5[%add3A_35] : memref<80000xf32, #tpu.memory_space<hbm>> -> memref<2512xf32, #tpu.memory_space<hbm>>
        %dma_start3A_620 = tpu.memref_slice %arg5[%add3A_35] : memref<80000xf32, #tpu.memory_space<hbm>> -> memref<2512xf32, #tpu.memory_space<hbm>>
        tpu.enqueue_dma source(%arg11 : memref<2512xf32, #tpu.memory_space<vmem>>) target(%dma_start3A_620 : memref<2512xf32, #tpu.memory_space<hbm>>) target_semaphore(%run_scoped3A : memref<!tpu.dma_semaphore, #tpu.memory_space<semaphore_mem>>)
        %dma_wait3A = tpu.memref_slice %arg5[%add3A_35] : memref<80000xf32, #tpu.memory_space<hbm>> -> memref<2512xf32, #tpu.memory_space<hbm>>
        %dma_wait3A_621 = tpu.memref_slice %arg5[%add3A_35] : memref<80000xf32, #tpu.memory_space<hbm>> -> memref<2512xf32, #tpu.memory_space<hbm>>
        tpu.wait_dma2 semaphore(%run_scoped3A : memref<!tpu.dma_semaphore, #tpu.memory_space<semaphore_mem>>) src(%arg11 : memref<2512xf32, #tpu.memory_space<vmem>>) dst(%dma_wait3A_621 : memref<2512xf32, #tpu.memory_space<hbm>>)
        tpu.yield
      }) : () -> ()
      "tpu.region"() ({
        %run_scoped3A = tpu.sem_alloc : memref<!tpu.dma_semaphore, #tpu.memory_space<semaphore_mem>>
        %dma_start3A = tpu.memref_slice %arg7[%add3A_35] : memref<80000xi32, #tpu.memory_space<hbm>> -> memref<2512xi32, #tpu.memory_space<hbm>>
        %dma_start3A_620 = tpu.memref_slice %arg7[%add3A_35] : memref<80000xi32, #tpu.memory_space<hbm>> -> memref<2512xi32, #tpu.memory_space<hbm>>
        tpu.enqueue_dma source(%arg13 : memref<2512xi32, #tpu.memory_space<vmem>>) target(%dma_start3A_620 : memref<2512xi32, #tpu.memory_space<hbm>>) target_semaphore(%run_scoped3A : memref<!tpu.dma_semaphore, #tpu.memory_space<semaphore_mem>>)
        %dma_wait3A = tpu.memref_slice %arg7[%add3A_35] : memref<80000xi32, #tpu.memory_space<hbm>> -> memref<2512xi32, #tpu.memory_space<hbm>>
        %dma_wait3A_621 = tpu.memref_slice %arg7[%add3A_35] : memref<80000xi32, #tpu.memory_space<hbm>> -> memref<2512xi32, #tpu.memory_space<hbm>>
        tpu.wait_dma2 semaphore(%run_scoped3A : memref<!tpu.dma_semaphore, #tpu.memory_space<semaphore_mem>>) src(%arg13 : memref<2512xi32, #tpu.memory_space<vmem>>) dst(%dma_wait3A_621 : memref<2512xi32, #tpu.memory_space<hbm>>)
        tpu.yield
      }) : () -> ()
    } else {
    }
    %eq3A_611 = arith.constant 7 : i32
    %eq3A_612 = arith.cmpi eq, %select_n3A_30, %eq3A_611 : i32
    %convert_element_type3A_613 = arith.extui %eq3A_612 : i1 to i32
    %cond3A_614 = arith.constant 0 : i32
    %cond3A_615 = arith.cmpi ne, %convert_element_type3A_613, %cond3A_614 : i32
    scf.if %cond3A_615 {
      %mul3A_616 = arith.constant 2 : i32
      %mul3A_617 = arith.muli %add3A_35, %mul3A_616 : i32
      "tpu.region"() ({
        %run_scoped3A = tpu.sem_alloc : memref<!tpu.dma_semaphore, #tpu.memory_space<semaphore_mem>>
        %dma_start3A = arith.constant 0 : i32
        %dma_start3A_620 = tpu.memref_slice %arg10[%dma_start3A] : memref<5024xi32, #tpu.memory_space<vmem>> -> memref<4832xi32, #tpu.memory_space<vmem>>
        %dma_start3A_621 = tpu.memref_slice %arg4[%mul3A_617] : memref<160000xi32, #tpu.memory_space<hbm>> -> memref<4832xi32, #tpu.memory_space<hbm>>
        %dma_start3A_622 = tpu.memref_slice %arg4[%mul3A_617] : memref<160000xi32, #tpu.memory_space<hbm>> -> memref<4832xi32, #tpu.memory_space<hbm>>
        %dma_start3A_623 = arith.constant 0 : i32
        %dma_start3A_624 = tpu.memref_slice %arg10[%dma_start3A_623] : memref<5024xi32, #tpu.memory_space<vmem>> -> memref<4832xi32, #tpu.memory_space<vmem>>
        tpu.enqueue_dma source(%dma_start3A_624 : memref<4832xi32, #tpu.memory_space<vmem>>) target(%dma_start3A_622 : memref<4832xi32, #tpu.memory_space<hbm>>) target_semaphore(%run_scoped3A : memref<!tpu.dma_semaphore, #tpu.memory_space<semaphore_mem>>)
        %dma_wait3A = arith.constant 0 : i32
        %dma_wait3A_625 = tpu.memref_slice %arg10[%dma_wait3A] : memref<5024xi32, #tpu.memory_space<vmem>> -> memref<4832xi32, #tpu.memory_space<vmem>>
        %dma_wait3A_626 = tpu.memref_slice %arg4[%mul3A_617] : memref<160000xi32, #tpu.memory_space<hbm>> -> memref<4832xi32, #tpu.memory_space<hbm>>
        %dma_wait3A_627 = tpu.memref_slice %arg4[%mul3A_617] : memref<160000xi32, #tpu.memory_space<hbm>> -> memref<4832xi32, #tpu.memory_space<hbm>>
        %dma_wait3A_628 = arith.constant 0 : i32
        %dma_wait3A_629 = tpu.memref_slice %arg10[%dma_wait3A_628] : memref<5024xi32, #tpu.memory_space<vmem>> -> memref<4832xi32, #tpu.memory_space<vmem>>
        tpu.wait_dma2 semaphore(%run_scoped3A : memref<!tpu.dma_semaphore, #tpu.memory_space<semaphore_mem>>) src(%dma_wait3A_629 : memref<4832xi32, #tpu.memory_space<vmem>>) dst(%dma_wait3A_627 : memref<4832xi32, #tpu.memory_space<hbm>>)
        tpu.yield
      }) : () -> ()
      %mul3A_618 = arith.constant 3 : i32
      %mul3A_619 = arith.muli %add3A_35, %mul3A_618 : i32
      "tpu.region"() ({
        %run_scoped3A = tpu.sem_alloc : memref<!tpu.dma_semaphore, #tpu.memory_space<semaphore_mem>>
        %dma_start3A = arith.constant 0 : i32
        %dma_start3A_620 = tpu.memref_slice %arg12[%dma_start3A] : memref<7536xi32, #tpu.memory_space<vmem>> -> memref<7248xi32, #tpu.memory_space<vmem>>
        %dma_start3A_621 = tpu.memref_slice %arg6[%mul3A_619] : memref<240000xi32, #tpu.memory_space<hbm>> -> memref<7248xi32, #tpu.memory_space<hbm>>
        %dma_start3A_622 = tpu.memref_slice %arg6[%mul3A_619] : memref<240000xi32, #tpu.memory_space<hbm>> -> memref<7248xi32, #tpu.memory_space<hbm>>
        %dma_start3A_623 = arith.constant 0 : i32
        %dma_start3A_624 = tpu.memref_slice %arg12[%dma_start3A_623] : memref<7536xi32, #tpu.memory_space<vmem>> -> memref<7248xi32, #tpu.memory_space<vmem>>
        tpu.enqueue_dma source(%dma_start3A_624 : memref<7248xi32, #tpu.memory_space<vmem>>) target(%dma_start3A_622 : memref<7248xi32, #tpu.memory_space<hbm>>) target_semaphore(%run_scoped3A : memref<!tpu.dma_semaphore, #tpu.memory_space<semaphore_mem>>)
        %dma_wait3A = arith.constant 0 : i32
        %dma_wait3A_625 = tpu.memref_slice %arg12[%dma_wait3A] : memref<7536xi32, #tpu.memory_space<vmem>> -> memref<7248xi32, #tpu.memory_space<vmem>>
        %dma_wait3A_626 = tpu.memref_slice %arg6[%mul3A_619] : memref<240000xi32, #tpu.memory_space<hbm>> -> memref<7248xi32, #tpu.memory_space<hbm>>
        %dma_wait3A_627 = tpu.memref_slice %arg6[%mul3A_619] : memref<240000xi32, #tpu.memory_space<hbm>> -> memref<7248xi32, #tpu.memory_space<hbm>>
        %dma_wait3A_628 = arith.constant 0 : i32
        %dma_wait3A_629 = tpu.memref_slice %arg12[%dma_wait3A_628] : memref<7536xi32, #tpu.memory_space<vmem>> -> memref<7248xi32, #tpu.memory_space<vmem>>
        tpu.wait_dma2 semaphore(%run_scoped3A : memref<!tpu.dma_semaphore, #tpu.memory_space<semaphore_mem>>) src(%dma_wait3A_629 : memref<7248xi32, #tpu.memory_space<vmem>>) dst(%dma_wait3A_627 : memref<7248xi32, #tpu.memory_space<hbm>>)
        tpu.yield
      }) : () -> ()
      "tpu.region"() ({
        %run_scoped3A = tpu.sem_alloc : memref<!tpu.dma_semaphore, #tpu.memory_space<semaphore_mem>>
        %dma_start3A = arith.constant 0 : i32
        %dma_start3A_620 = tpu.memref_slice %arg11[%dma_start3A] : memref<2512xf32, #tpu.memory_space<vmem>> -> memref<2416xf32, #tpu.memory_space<vmem>>
        %dma_start3A_621 = tpu.memref_slice %arg5[%add3A_35] : memref<80000xf32, #tpu.memory_space<hbm>> -> memref<2416xf32, #tpu.memory_space<hbm>>
        %dma_start3A_622 = tpu.memref_slice %arg5[%add3A_35] : memref<80000xf32, #tpu.memory_space<hbm>> -> memref<2416xf32, #tpu.memory_space<hbm>>
        %dma_start3A_623 = arith.constant 0 : i32
        %dma_start3A_624 = tpu.memref_slice %arg11[%dma_start3A_623] : memref<2512xf32, #tpu.memory_space<vmem>> -> memref<2416xf32, #tpu.memory_space<vmem>>
        tpu.enqueue_dma source(%dma_start3A_624 : memref<2416xf32, #tpu.memory_space<vmem>>) target(%dma_start3A_622 : memref<2416xf32, #tpu.memory_space<hbm>>) target_semaphore(%run_scoped3A : memref<!tpu.dma_semaphore, #tpu.memory_space<semaphore_mem>>)
        %dma_wait3A = arith.constant 0 : i32
        %dma_wait3A_625 = tpu.memref_slice %arg11[%dma_wait3A] : memref<2512xf32, #tpu.memory_space<vmem>> -> memref<2416xf32, #tpu.memory_space<vmem>>
        %dma_wait3A_626 = tpu.memref_slice %arg5[%add3A_35] : memref<80000xf32, #tpu.memory_space<hbm>> -> memref<2416xf32, #tpu.memory_space<hbm>>
        %dma_wait3A_627 = tpu.memref_slice %arg5[%add3A_35] : memref<80000xf32, #tpu.memory_space<hbm>> -> memref<2416xf32, #tpu.memory_space<hbm>>
        %dma_wait3A_628 = arith.constant 0 : i32
        %dma_wait3A_629 = tpu.memref_slice %arg11[%dma_wait3A_628] : memref<2512xf32, #tpu.memory_space<vmem>> -> memref<2416xf32, #tpu.memory_space<vmem>>
        tpu.wait_dma2 semaphore(%run_scoped3A : memref<!tpu.dma_semaphore, #tpu.memory_space<semaphore_mem>>) src(%dma_wait3A_629 : memref<2416xf32, #tpu.memory_space<vmem>>) dst(%dma_wait3A_627 : memref<2416xf32, #tpu.memory_space<hbm>>)
        tpu.yield
      }) : () -> ()
      "tpu.region"() ({
        %run_scoped3A = tpu.sem_alloc : memref<!tpu.dma_semaphore, #tpu.memory_space<semaphore_mem>>
        %dma_start3A = arith.constant 0 : i32
        %dma_start3A_620 = tpu.memref_slice %arg13[%dma_start3A] : memref<2512xi32, #tpu.memory_space<vmem>> -> memref<2416xi32, #tpu.memory_space<vmem>>
        %dma_start3A_621 = tpu.memref_slice %arg7[%add3A_35] : memref<80000xi32, #tpu.memory_space<hbm>> -> memref<2416xi32, #tpu.memory_space<hbm>>
        %dma_start3A_622 = tpu.memref_slice %arg7[%add3A_35] : memref<80000xi32, #tpu.memory_space<hbm>> -> memref<2416xi32, #tpu.memory_space<hbm>>
        %dma_start3A_623 = arith.constant 0 : i32
        %dma_start3A_624 = tpu.memref_slice %arg13[%dma_start3A_623] : memref<2512xi32, #tpu.memory_space<vmem>> -> memref<2416xi32, #tpu.memory_space<vmem>>
        tpu.enqueue_dma source(%dma_start3A_624 : memref<2416xi32, #tpu.memory_space<vmem>>) target(%dma_start3A_622 : memref<2416xi32, #tpu.memory_space<hbm>>) target_semaphore(%run_scoped3A : memref<!tpu.dma_semaphore, #tpu.memory_space<semaphore_mem>>)
        %dma_wait3A = arith.constant 0 : i32
        %dma_wait3A_625 = tpu.memref_slice %arg13[%dma_wait3A] : memref<2512xi32, #tpu.memory_space<vmem>> -> memref<2416xi32, #tpu.memory_space<vmem>>
        %dma_wait3A_626 = tpu.memref_slice %arg7[%add3A_35] : memref<80000xi32, #tpu.memory_space<hbm>> -> memref<2416xi32, #tpu.memory_space<hbm>>
        %dma_wait3A_627 = tpu.memref_slice %arg7[%add3A_35] : memref<80000xi32, #tpu.memory_space<hbm>> -> memref<2416xi32, #tpu.memory_space<hbm>>
        %dma_wait3A_628 = arith.constant 0 : i32
        %dma_wait3A_629 = tpu.memref_slice %arg13[%dma_wait3A_628] : memref<2512xi32, #tpu.memory_space<vmem>> -> memref<2416xi32, #tpu.memory_space<vmem>>
        tpu.wait_dma2 semaphore(%run_scoped3A : memref<!tpu.dma_semaphore, #tpu.memory_space<semaphore_mem>>) src(%dma_wait3A_629 : memref<2416xi32, #tpu.memory_space<vmem>>) dst(%dma_wait3A_627 : memref<2416xi32, #tpu.memory_space<hbm>>)
        tpu.yield
      }) : () -> ()
    } else {
    }
    return
  }
}

</mosaic_0001>

<sc_bundles>
// kernel: kernel.3.cloned.1.call-start
scs
__scs_entry_jumppad:
0x0: {  	(pc) =	sbr.rel $0x88, $3  }
0x1: {  	(tag) =	ssettag $0x0;
	lr =	simm.s32 $0x1  }
0x2: {  	[smem:$0x3F9D] =	sst lr;
	_ =	strace $0xD0000000  }
0x3: {  	_ = 	snop  }
0x4: {  	_ = 	snop  }
0x5: {  	_ = 	snop  }
0x6: {  	_ = 	snop  }
0x7: {  	_ = 	snop  }
__scs_overlays_trampoline_lowered:
0x8: {  	[smem:$0x3FAC] =	sst s0  }
0x9: {  	[smem:$0x3FAD] =	sst s1  }
0xa: {  	[smem:$0x3FAE] =	sst s2  }
0xb: {  	[smem:$0x3FAF] =	sst s3  }
0xc: {  	[smem:$0x3FB0] =	sst s4  }
0xd: {  	[smem:$0x3FB1] =	sst s5  }
0xe: {  	[smem:$0x3FB2] =	sst s6  }
0xf: {  	[smem:$0x3FB3] =	sst s7  }
0x10: {  	[smem:$0x3FB4] =	sst s8  }
0x11: {  	[smem:$0x3FB5] =	sst s9;
	s0 =	simm.s32 @!p0 $0x0  }
0x12: {  	s1 =	sld [smem:$0x3F9B];
	s0 =	simm.s32 @p0 $0x1  }
0x13: {  	[smem:$0x3FB6] =	sst s0;
	s0 =	simm.s32 @!p1 $0x0  }
0x14: {  	s2 =	sld [smem:$0x3F9A];
	s0 =	simm.s32 @p1 $0x1  }
0x15: {  	[smem:$0x3FB7] =	sst s0;
	s0 =	simm.s32 @!p2 $0x0  }
0x16: {  	s3 =	sld [smem:$0x3FDB];
	s0 =	simm.s32 @p2 $0x1  }
0x17: {  	s4 =	simm.s32 $0x1BF5;
	[smem:$0x3FB9] =	sst s0  }
0x18: {  	s0 =	sld [smem:$0x3F9C];
	_ =	swait.ge [sflag:s4], $0x0  }
0x19: {  	s7 =	sld [smem:$0x3F9D]  }
0x1a: {  	s8 =	sadd.s32 $0xFFFFE003, lr  }
0x1b: {  	s9 =	sadd.s32 $0xFFFFFEF7, lr;
	s5 =	simm.s32 $0xFFFFFFFF;
	p2 =	slt.u32 s8, $0xFFFFF086  }
0x1c: {  	p1 =	slt.u32 s9, $0xF7A;
	s5 =	simm.s32 @!p2 $0x0  }
0x1d: {  	s5 =	simm.s32 @p1 $0x1;
	p0 =	seq.s32 s7, s2  }
0x1e: {  	s7 =	smul.u32 @!p0 $0xF7A, s2;
	p2 =	seq.s32 @!p0 s5, $0x0  }
0x1f: {  	s9 =	smul.u32 $0xF7A, s1;
	s8 =	simm.s32 @!p0 $0x1BF5;
	p2 =	por !p2, p0  }
0x20: {  	[sflag:s8] =	ssyncset.s32 @!p0 $0xFFFFF086;
	s6 =	sadd.s32 @!p0 s3, s7;
	s7 =	simm.s32 @!p0 $0x108  }
0x21: {  	s3 =	sadd.s32 s3, s9;
	s6 =	sadd.s32 @!p0 $0x88, s6;
	s7 =	simm.s32 @p2 $0x1082  }
0x22: {  	[simem:s7], [sflag:s8] =	dma.local @!p0 [hbm:s6], $0xF7A  }
0x23: {  	s9 =	sor.u32 $0xD0000000, s2;
	s6 =	simm.s32 $0x108;
	_ =	swait.ge @!p0 [sflag:s8], $0x0  }
0x24: {  	s3 =	sadd.s32 $0x88, s3;
	s6 =	simm.s32 @!p1 $0x1082;
	[sflag:s4] =	ssyncset.s32 $0xFFFFF086  }
0x25: {  	[simem:s6], [sflag:s4] =	dma.local [hbm:s3], $0xF7A  }
0x26: {  	[smem:$0x3F9D] =	sst s1;
	(tag) =	ssettag s2;
	_ =	strace s9  }
0x27: {  	s1 =	sld [smem:$0x3FAD]  }
0x28: {  	s2 =	sld [smem:$0x3FAE]  }
0x29: {  	s4 =	sld [smem:$0x3FB0]  }
0x2a: {  	p0 =	seq.s32 s5, $0x0;
	s5 =	sld [smem:$0x3FB1]  }
0x2b: {  	s6 =	sld [smem:$0x3FB2]  }
0x2c: {  	s7 =	sld [smem:$0x3FB3]  }
0x2d: {  	s3 =	simm.s32 $0x108;
	s8 =	sld [smem:$0x3FB4]  }
0x2e: {  	s3 =	simm.s32 @!p0 $0x1082;
	s9 =	sld [smem:$0x3FB5]  }
0x2f: {  	lr =	sadd.s32 s0, s3;
	s0 =	sld [smem:$0x3FAC]  }
0x30: {  	s3 =	sld [smem:$0x3FAF]  }
0x31: {  	[smem:$0x3FB8] =	sst s10  }
0x32: {  	s10 =	sld [smem:$0x3FB6];
	_ =	sdelay $0x3  }
0x33: {  	p0 =	seq.s32 s10, $0x1;
	s10 =	sld [smem:$0x3FB8];
	_ =	sdelay $0x3  }
0x34: {  	[smem:$0x3FB8] =	sst s10  }
0x35: {  	s10 =	sld [smem:$0x3FB7];
	_ =	sdelay $0x3  }
0x36: {  	p1 =	seq.s32 s10, $0x1;
	s10 =	sld [smem:$0x3FB8];
	_ =	sdelay $0x3  }
0x37: {  	[smem:$0x3FB8] =	sst s10  }
0x38: {  	s10 =	sld [smem:$0x3FB9]  }
0x39: {  	_ = 	snop;
	(pc) =	sbr.ind lr, $3  }
0x3a: {  	_ = 	snop  }
0x3b: {  	_ = 	snop  }
0x3c: {  	p2 =	seq.s32 s10, $0x1;
	s10 =	sld [smem:$0x3FB8]  }
0x3d: {  	_ =	shalt  }
0x3e: {  	_ =	shalt  }
0x3f: {  	_ =	shalt  }
0x40: {  	_ =	shalt  }
0x41: {  	_ =	shalt  }
0x42: {  	_ =	shalt  }
0x43: {  	_ =	shalt  }
0x44: {  	_ =	shalt  }
0x45: {  	_ =	shalt  }
0x46: {  	_ =	shalt  }
0x47: {  	_ =	shalt  }
0x48: {  	_ =	shalt  }
0x49: {  	_ =	shalt  }
0x4a: {  	_ =	shalt  }
0x4b: {  	_ =	shalt  }
0x4c: {  	_ =	shalt  }
0x4d: {  	_ =	shalt  }
0x4e: {  	_ =	shalt  }
0x4f: {  	_ =	shalt  }
0x50: {  	_ =	shalt  }
0x51: {  	_ =	shalt  }
0x52: {  	_ =	shalt  }
0x53: {  	_ =	shalt  }
0x54: {  	_ =	shalt  }
0x55: {  	_ =	shalt  }
0x56: {  	_ =	shalt  }
0x57: {  	_ =	shalt  }
0x58: {  	_ =	shalt  }
0x59: {  	_ =	shalt  }
0x5a: {  	_ =	shalt  }
0x5b: {  	_ =	shalt  }
0x5c: {  	_ =	shalt  }
0x5d: {  	_ =	shalt  }
0x5e: {  	_ =	shalt  }
0x5f: {  	_ =	shalt  }
0x60: {  	_ =	shalt  }
0x61: {  	_ =	shalt  }
0x62: {  	_ =	shalt  }
0x63: {  	_ =	shalt  }
0x64: {  	_ =	shalt  }
0x65: {  	_ =	shalt  }
0x66: {  	_ =	shalt  }
0x67: {  	_ =	shalt  }
0x68: {  	_ =	shalt  }
0x69: {  	_ =	shalt  }
0x6a: {  	_ =	shalt  }
0x6b: {  	_ =	shalt  }
0x6c: {  	_ =	shalt  }
0x6d: {  	_ =	shalt  }
0x6e: {  	_ =	shalt  }
0x6f: {  	_ =	shalt  }
0x70: {  	_ =	shalt  }
0x71: {  	_ =	shalt  }
0x72: {  	_ =	shalt  }
0x73: {  	_ =	shalt  }
0x74: {  	_ =	shalt  }
0x75: {  	_ =	shalt  }
0x76: {  	_ =	shalt  }
0x77: {  	_ =	shalt  }
0x78: {  	_ =	shalt  }
0x79: {  	_ =	shalt  }
0x7a: {  	_ =	shalt  }
0x7b: {  	_ =	shalt  }
0x7c: {  	_ =	shalt  }
0x7d: {  	_ =	shalt  }
0x7e: {  	_ =	shalt  }
0x7f: {  	_ =	shalt  }
0x80: {  	_ =	shalt  }
0x81: {  	_ =	shalt  }
0x82: {  	_ =	shalt  }
0x83: {  	_ =	shalt  }
0x84: {  	_ =	shalt  }
0x85: {  	_ =	shalt  }
0x86: {  	_ =	shalt  }
0x87: {  	_ =	shalt  }
.Lfunc_end0:
.L_simem_size_0:
called_computation_lowered:
.L_overlay_start_0:
0x88: {  	s2 =	sld [smem:$0x3FD9]  }
0x89: {  	s3 =	sld [smem:$0x3FFE];
	_ =	sdelay $0x1  }
0x8a: {  	s1 =	srdreg.scid  }
0x8b: {  	s0 =	sand.u32 $0x1, s1  }
0x8c: {  	s14 =	sshll.u32 s0, $0xA;
	s2 =	sadd.s32 s3, s2  }
0x8d: {  	s2 =	sadd.s32 s2, s14  }
0x8e: {  	[smem:$0x3FC4] =	sst s2  }
0x8f: {  	_ = 	snop  }
0x90: {  	s2 =	sld [smem:$0x3FD0];
	_ =	sdelay $0x2  }
0x91: {  	s15 =	simm.s32 $0xA;
	s4 =	simm.s32 $0x10  }
0x92: {  	[smem:s4], [sflag:s15] =	dma.local [hbm:s2], $0x1  }
0x93: {  	_ =	swait.eq [sflag:s15], $0x1  }
0x94: {  	s16 =	sld [smem:$0x10];
	[sflag:s15] =	ssyncset.done $0x0  }
0x95: {  	s17 =	sld [smem:$0x12];
	[sflag:s15] =	ssyncadd.s32 $0xFFFFFFFF  }
0x96: {  	s18 =	sld [smem:$0x13];
	(tm) =	ssettm $0x1  }
0x97: {  	s5 =	sld [smem:$0x3FFB];
	_ =	sdelay $0x3  }
0x98: {  	_ =	strace s5  }
0x99: {  	s5 =	sld [smem:$0x3FFC];
	_ =	sdelay $0x3  }
0x9a: {  	_ =	strace s5  }
0x9b: {  	s5 =	sld [smem:$0x3FFD];
	_ =	sdelay $0x3  }
0x9c: {  	_ =	strace s5  }
0x9d: {  	_ =	strace $0x8FFFFFFF  }
0x9e: {  	s19 =	sld [smem:$0x3FDB];
	_ =	sdelay $0x1  }
0x9f: {  	s6 =	simm.s32 $_scs_section_size  }
0xa0: {  	s7 =	simm.s32 $_size__tile_overlayer_lowered;
	s8 =	simm.s32 $_tile_overlayer_lowered  }
0xa1: {  	s22 =	simm.s32 $0x1BFF;
	s21 =	sshll.u32 s8, $0x1;
	s5 =	sadd.s32 s6, s19  }
0xa2: {  	s9 =	simm.s32 $0x0;
	s20 =	sshll.u32 s7, $0x1;
	s7 =	sadd.s32 s21, s5  }
0xa3: {  	[timem:s9], [sflag:s22] =	dma.local [hbm:s7], s20  }
0xa4: {  	_ =	swait.ge [sflag:s22], s20  }
0xa5: {  	s6 =	ssub.s32 $0x0, s20;
	[sflag:s22] =	ssyncset.done $0x0  }
0xa6: {  	[sflag:s22] =	ssyncadd.s32 s6;
	_ =	sdelay $0x1  }
0xa7: {  	s23 =	simm.s32 $0x1B8B  }
0xa8: {  	_ =	swait.ge [sflag:s23], $0x1  }
0xa9: {  	[sflag:s23] =	ssyncset.done $0x0  }
0xaa: {  	s25 =	simm.s32 $0x1B8E;
	s24 =	sld [smem:$0x3FFE];
	[sflag:s23] =	ssyncadd.s32 $0xFFFFFFFF  }
0xab: {  	s26 =	simm.s32 $execute0_lowered;
	[smem:$0x3FD2] =	sst s25  }
0xac: {  	s7 =	sshll.u32 s26, $0x1;
	_ =	strace $0x80000046;
	[dreg:$0x1] =	wrdreg $0xFFFFFFFF  }
0xad: {  	s28 =	simm.s32 $_size_execute0_lowered;
	s5 =	sadd.s32 s5, s7;
	[dreg:$0x0] =	wrdreg $0x0  }
0xae: {  	s7 =	sshll.u32 s28, $0x1;
	[dreg:$0x2] =	wrdreg s5  }
0xaf: {  	[dreg:$0x3] =	wrdreg s7  }
0xb0: {  	[dreg:$0x4] =	wrdreg $0xC0  }
0xb1: {  	_ =	task [dreg:s9], $0x5FFFF  }
0xb2: {  	[dreg:$0x1] =	wrdreg $0xFFFFFFFF  }
0xb3: {  	[dreg:$0x0] =	wrdreg $0x60  }
0xb4: {  	[dreg:$0x2] =	wrdreg s24  }
0xb5: {  	[dreg:$0x3] =	wrdreg s18  }
0xb6: {  	[dreg:$0x4] =	wrdreg s16  }
0xb7: {  	[dreg:$0x5] =	wrdreg s17  }
0xb8: {  	[dreg:$0x6] =	wrdreg $0x9  }
0xb9: {  	_ =	task.clear_ibuf [dreg:s9], $0x7FFFF;
	_ =	strace $0x90000046  }
0xba: {  	s29 =	simm.s32 $0x9;
	_ =	strace $0x80000048  }
0xbb: {  	_ =	swait.ge [sflag:s29], $0x1  }
0xbc: {  	[sflag:s29] =	ssyncadd.s32 $0xFFFFFFFF  }
0xbd: {  	_ =	strace $0x90000048  }
0xbe: {  	_ =	sfence  }
0xbf: {  	s30 =	sld [smem:$0x0];
	_ =	sdelay $0x2  }
0xc0: {  	s31 =	sshll.u32 s1, $0xD;
	s1 =	sshrl.u32 s1, $0x2  }
0xc1: {  	s3 =	sand.u32 $0x4000, s31;
	s1 =	sadd.s32 s1, s30  }
0xc2: {  	s0 =	sor.u32 s3, s0;
	s1 =	sshll.u32 s1, $0x11  }
0xc3: {  	s0 =	sor.u32 s1, s0  }
0xc4: {  	s0 =	sadd.s32 $0x8F2B, s0  }
0xc5: {  	[sflag:s0] =	ssyncadd.remote.s32 $0x1  }
0xc6: {  	_ =	sfence.sel $0xFFFF  }
0xc7: {  	[dreg:$0x0] =	wrdreg $0xFFFFFFFF;
	(pc) =	sbr.abs _section_cstart, $3  }
0xc8: {  	[dreg:$0x1] =	wrdreg $0xFFFFFFFF  }
0xc9: {  	_ =	task.clear_ibuf [dreg:s9], $0x2FFFF;
	_ =	strace $0x9FFFFFFF  }
0xca: {  	(tm) =	ssettm $0x7FFFFFFF  }
0xcb: {  	_ =	shalt  }
tec
execute0_lowered:
.L_overlay_start_1:
0x0: {  	(tag) =	ssettag $0x1  }
0x1: {  	s0 =	srdreg.scid  }
0x2: {  	s4 =	sand.u32 $0x1, s0  }
0x3: {  	s0 =	stileid.u32;
	s1 =	sshll.u32 s4, $0x4  }
0x4: {  	s5 =	rddreg [dreg:$0x0];
	s14 =	sand.u32 $0x7, s0;
	s1 =	sor.u32 s0, s1  }
0x5: {  	s7 =	rddreg [dreg:$0x1];
	p1 =	sne.s32 s14, $0x0;
	p0 =	seq.s32 s1, $0x0  }
0x6: {  	s2 =	simm.s32 $0x1;
	s8 =	rddreg [dreg:$0x2];
	p0 =	por !p1, !p0  }
0x7: {  	s10 =	rddreg [dreg:$0x3];
	s13 =	ssub.s32 $0x2, s4;
	p0 =	por !p0, !p0  }
0x8: {  	s26 =	sshrl.u32 s13, $0x1;
	s1 =	sshrl.u32 s1, $0x3;
	s2 =	simm.s32 @!p0 $0x0  }
0x9: {  	s9 =	smul.u32 $0x9D0, s14;
	s13 =	ssub.s32 s13, s26;
	s6 =	ssub.s32 s1, s2  }
0xa: {  	s1 =	rddreg [dreg:$0x4];
	s2 =	simm.s32 $0x0;
	s3 =	smul.u32 $0x4E20, s6  }
0xb: {  	p0 =	seq.s32 s14, $0x7;
	s14 =	simm.s32 $0x0;
	[smem:$0x7FF] =	sst s2  }
0xc: {  	s6 =	sshll.u32 s6, $0x6;
	_ =	strace $0x80000047;
	s9 =	sadd.s32 s9, s3  }
0xd: {  	s29 =	sand.u32 $0x1FFFFFC0, s6;
	s3 =	simm.s32 $0x1;
	s11 =	sshrl.u32 s9, $0x1  }
0xe: {  	v0 =	vlaneseq.u32;
	s12 =	sshrl.u32 s9, $0x3;
	s28 =	sshrl.u32 s9, $0x2;
	s9 =	smul.u32 $0x3, s9  }
0xf: {  	v60 =	vmul.u32 $0x4, v0;
	s11 =	sand.u32 $0x1FFFFFF8, s11;
	s12 =	sadd.s32 s12, s5;
	s30 =	sand.u32 $0x1FFFFFFC, s28  }
0x10: {  	s11 =	sadd.s32 s11, s5;
	s5 =	sadd.s32 s7, s29;
	s6 =	sadd.s32 s8, s30  }
0x11: {  	v40 =	vor.u32 $0x1, v60;
	s31 =	sshrl.u32 s9, $0x3;
	s8 =	sadd.s32 $0xD000, s12;
	s9 =	sadd.s32 $0xA800, s12  }
0x12: {  	[tilespmem:$0x1FFE0] =	vst v40;
	s12 =	simm.s32 $0x2980;
	s4 =	sadd.s32 $0xA00, s11;
	s7 =	sadd.s32 s10, s31  }
0x13: {  	[tilespmem:$0x1FFF0] =	vst v60;
	s10 =	smax.u32 s13, $0x1;
	s11 =	simm.s32 $0x2780;
	s13 =	simm.s32 $0x4780  }
.LBB2_1:
0x14: {  	[tilespmem:s2], [sflag:$0x1] =	stream.linear.gather [hbm4b:s4+s2], $0x2740, $0x38;
	[tilespmem:$0x6F00] =	vst v63  }
0x15: {  	_ =	swait.ge [sflag:s3], $0x2740  }
0x16: {  	[sflag:s3] =	ssyncset.done $0x0  }
0x17: {  	[sflag:s3] =	ssyncadd.s32 $0xFFFFD8C0  }
0x18: {  	[tilespmem:s11], [sflag:$0x1] =	stream.linear.gather [hbm4b:s5+s2], $0x200, $0x38;
	[tilespmem:$0x6F00] =	vst v63  }
0x19: {  	_ =	swait.ge [sflag:s3], $0x200  }
0x1a: {  	[sflag:s3] =	ssyncset.done $0x0  }
0x1b: {  	[sflag:s3] =	ssyncadd.s32 $0xFFFFFE00  }
0x1c: {  	v4 =	vld [tilespmem:$0x2950]  }
0x1d: {  	v5 =	vld [tilespmem:$0x2940]  }
0x1e: {  	v14 =	vld [tilespmem:$0x2840]  }
0x1f: {  	v43 =	vld [tilespmem:$0x28A0]  }
0x20: {  	v21 =	vld [tilespmem:$0x28B0]  }
0x21: {  	v23 =	vld [tilespmem:$0x28D0];
	_ =	sdelay $0x1  }
0x22: {  	v4 =	vtrunc.f32 v4  }
0x23: {  	v0 =	vimm.s32 $0x0;
	v5 =	vtrunc.f32 v5;
	v4 =	vcvt.f32.s32 v4  }
0x24: {  	v37 =	vshrl.u32 v14, $0x10;
	v48 =	vshrl.u32 v43, $0x10;
	v5 =	vcvt.f32.s32 v5  }
0x25: {  	v51 =	vshrl.u32 v21, $0x10;
	v29 =	vshrl.u32 v23, $0x10;
	v6 =	vshra.s32 v4, $0x1F  }
0x26: {  	v7 =	vand.u32 $0x3, v4;
	vm0 =	vlt.s32 v4, $0x1;
	v8 =	vand.u32 $0x3, v5  }
0x27: {  	vm15 =	vlt.s32 v5, $0x1;
	v6 =	vshrl.u32 v6, $0x1E;
	vm1 =	vne.s32 v7, $0x0;
	v7 =	vld [tilespmem:$0x2780]  }
0x28: {  	vm2 =	vne.s32 v8, $0x0;
	v8 =	vld [tilespmem:$0x27A0];
	v6 =	vadd.s32 v6, v4;
	v4 =	vshra.s32 v5, $0x1F  }
0x29: {  	v9 =	vld [tilespmem:$0x2790];
	vm0 =	vmand vm0, vm1;
	vm1 =	vmand vm15, vm2;
	v4 =	vshrl.u32 v4, $0x1E  }
0x2a: {  	v6 =	vshra.s32 v6, $0x2;
	v4 =	vadd.s32 v4, v5;
	v5 =	vsel vm0, $0xFFFFFFFF, v0  }
0x2b: {  	v10 =	vsel vm1, $0xFFFFFFFF, v0;
	v4 =	vshra.s32 v4, $0x2;
	v5 =	vadd.s32 v5, v6  }
0x2c: {  	v6 =	vld [tilespmem:$0x27B0];
	v4 =	vadd.s32 v10, v4;
	v5 =	vadd.s32 $0xFFFFFFFF, v5;
	v10 =	vshrl.u32 v7, $0x10  }
0x2d: {  	v13 =	vshrl.u32 v8, $0x10;
	v4 =	vadd.s32 $0xFFFFFFFF, v4;
	v10 =	vand.u32 $0x1, v10  }
0x2e: {  	v11 =	vld [tilespmem:$0x27C0];
	v15 =	vcvt.s32.f32 v5;
	v7 =	vadd.s32 v10, v7;
	v10 =	vshrl.u32 v9, $0x10  }
0x2f: {  	v12 =	vld [tilespmem:$0x27D0];
	v13 =	vand.u32 $0x1, v13;
	v7 =	vadd.s32 $0x7FFF, v7;
	v10 =	vand.u32 $0x1, v10  }
0x30: {  	v16 =	vcvt.s32.f32 v4;
	v17 =	vand.u32 $0xFFFF0000, v7;
	v7 =	vadd.s32 v10, v9  }
0x31: {  	v8 =	vadd.s32 v13, v8;
	v9 =	vld [tilespmem:$0x27E0];
	v10 =	vshrl.u32 v6, $0x10;
	v7 =	vadd.s32 $0x7FFF, v7  }
0x32: {  	v8 =	vadd.s32 $0x7FFF, v8;
	v25 =	vand.u32 $0xFFFF0000, v7;
	v7 =	vand.u32 $0x1, v10  }
0x33: {  	v24 =	vld [tilespmem:$0x27F0];
	v26 =	vand.u32 $0xFFFF0000, v8;
	v6 =	vadd.s32 v7, v6;
	v7 =	vshrl.u32 v11, $0x10  }
0x34: {  	v8 =	vld [tilespmem:$0x2800];
	v10 =	vshrl.u32 v12, $0x10;
	v6 =	vadd.s32 $0x7FFF, v6;
	v7 =	vand.u32 $0x1, v7  }
0x35: {  	v10 =	vand.u32 $0x1, v10;
	v20 =	vand.u32 $0xFFFF0000, v6;
	v6 =	vadd.s32 v7, v11  }
0x36: {  	v7 =	vadd.s32 v10, v12;
	v11 =	vld [tilespmem:$0x2810];
	v10 =	vshrl.u32 v9, $0x10;
	v6 =	vadd.s32 $0x7FFF, v6  }
0x37: {  	v7 =	vadd.s32 $0x7FFF, v7;
	v32 =	vand.u32 $0xFFFF0000, v6;
	v6 =	vand.u32 $0x1, v10  }
0x38: {  	v27 =	vld [tilespmem:$0x2820];
	v33 =	vand.u32 $0xFFFF0000, v7;
	v6 =	vadd.s32 v6, v9;
	v9 =	vshrl.u32 v24, $0x10  }
0x39: {  	v7 =	vld [tilespmem:$0x2830];
	v10 =	vshrl.u32 v8, $0x10;
	v6 =	vadd.s32 $0x7FFF, v6;
	v9 =	vand.u32 $0x1, v9  }
0x3a: {  	v10 =	vand.u32 $0x1, v10;
	v34 =	vand.u32 $0xFFFF0000, v6;
	v6 =	vadd.s32 v9, v24  }
0x3b: {  	[tilespmem:$0x1FE60] =	vst v15;
	v15 =	vld [tilespmem:$0x2850];
	v8 =	vadd.s32 v10, v8;
	v9 =	vshrl.u32 v11, $0x10;
	v6 =	vadd.s32 $0x7FFF, v6  }
0x3c: {  	v8 =	vadd.s32 $0x7FFF, v8;
	v10 =	vand.u32 $0xFFFF0000, v6;
	v6 =	vand.u32 $0x1, v9  }
0x3d: {  	v35 =	vand.u32 $0xFFFF0000, v8;
	v8 =	vld [tilespmem:$0x2860];
	v9 =	vshrl.u32 v27, $0x10;
	v6 =	vadd.s32 v6, v11  }
0x3e: {  	v11 =	vshrl.u32 v7, $0x10;
	v9 =	vand.u32 $0x1, v9;
	v6 =	vadd.s32 $0x7FFF, v6  }
0x3f: {  	v54 =	vld [tilespmem:$0x2930];
	v11 =	vand.u32 $0x1, v11;
	v36 =	vand.u32 $0xFFFF0000, v6;
	v6 =	vadd.s32 v9, v27  }
0x40: {  	v39 =	vshrl.u32 v15, $0x10;
	v7 =	vadd.s32 v11, v7;
	v11 =	vld [tilespmem:$0x2870];
	v6 =	vadd.s32 $0x7FFF, v6  }
0x41: {  	[tilespmem:$0x1FE70] =	vst v16;
	v16 =	vld [tilespmem:$0x2880];
	v7 =	vadd.s32 $0x7FFF, v7;
	v38 =	vand.u32 $0xFFFF0000, v6;
	v6 =	vand.u32 $0x1, v37  }
0x42: {  	v41 =	vshrl.u32 v8, $0x10;
	v9 =	vand.u32 $0xFFFF0000, v7;
	v7 =	vld [tilespmem:$0x2890];
	v6 =	vadd.s32 v6, v14  }
0x43: {  	v12 =	vand.u32 $0x1, v39;
	v14 =	vand.u32 $0x1, v41;
	v6 =	vadd.s32 $0x7FFF, v6  }
0x44: {  	v8 =	vadd.s32 v14, v8;
	v42 =	vand.u32 $0xFFFF0000, v6;
	v6 =	vadd.s32 v12, v15  }
0x45: {  	v8 =	vadd.s32 $0x7FFF, v8;
	v44 =	vshrl.u32 v11, $0x10;
	v6 =	vadd.s32 $0x7FFF, v6  }
0x46: {  	[tilespmem:$0x1FFB0] =	vst v54;
	v46 =	vand.u32 $0xFFFF0000, v8;
	v45 =	vand.u32 $0xFFFF0000, v6;
	v6 =	vand.u32 $0x1, v44  }
0x47: {  	[tilespmem:$0x1FE80] =	vst v17;
	v8 =	vld [tilespmem:$0x28C0];
	v47 =	vshrl.u32 v7, $0x10;
	v6 =	vadd.s32 v6, v11;
	v11 =	vshrl.u32 v16, $0x10  }
0x48: {  	v28 =	vld [tilespmem:$0x28E0];
	[tilespmem:$0x1FEA0] =	vst v26;
	v14 =	vand.u32 $0x1, v47;
	v6 =	vadd.s32 $0x7FFF, v6;
	v11 =	vand.u32 $0x1, v11  }
0x49: {  	[tilespmem:$0x1FE90] =	vst v25;
	v7 =	vadd.s32 v14, v7;
	v31 =	vand.u32 $0xFFFF0000, v6;
	v6 =	vadd.s32 v11, v16;
	v11 =	vld [tilespmem:$0x28F0]  }
0x4a: {  	v53 =	vand.u32 $0x1, v29;
	[tilespmem:$0x1FEB0] =	vst v32;
	v12 =	vand.u32 $0x1, v51;
	v7 =	vadd.s32 $0x7FFF, v7  }
0x4b: {  	[tilespmem:$0x1FEC0] =	vst v33;
	v12 =	vadd.s32 v12, v21;
	v6 =	vadd.s32 $0x7FFF, v6;
	v50 =	vand.u32 $0xFFFF0000, v7;
	v7 =	vld [tilespmem:$0x2900]  }
0x4c: {  	[tilespmem:$0x1FED0] =	vst v34;
	v52 =	vshrl.u32 v8, $0x10;
	v49 =	vand.u32 $0xFFFF0000, v6;
	v6 =	vand.u32 $0x1, v48  }
0x4d: {  	v30 =	vld [tilespmem:$0x2910];
	[tilespmem:$0x1FEE0] =	vst v35;
	v21 =	vshrl.u32 v28, $0x10;
	v16 =	vand.u32 $0x1, v52;
	v6 =	vadd.s32 v6, v43  }
0x4e: {  	[tilespmem:$0x1FEF0] =	vst v36;
	v8 =	vadd.s32 v16, v8;
	v16 =	vadd.s32 v53, v23;
	v23 =	vshrl.u32 v11, $0x10  }
0x4f: {  	[tilespmem:$0x1FF00] =	vst v38;
	v35 =	vadd.s32 $0x7FFF, v6;
	v6 =	vand.u32 $0x1, v21;
	v21 =	vand.u32 $0x1, v23  }
0x50: {  	v29 =	vld [tilespmem:$0x2920];
	[tilespmem:$0x1FF10] =	vst v42;
	v21 =	vadd.s32 v21, v11;
	v11 =	vshrl.u32 v7, $0x10  }
0x51: {  	[tilespmem:$0x1FF30] =	vst v46;
	v8 =	vadd.s32 $0x7FFF, v8;
	v11 =	vand.u32 $0x1, v11  }
0x52: {  	[tilespmem:$0x1FF20] =	vst v45;
	v28 =	vadd.s32 v6, v28;
	v55 =	vadd.s32 v11, v7;
	v11 =	vshrl.u32 v30, $0x10  }
0x53: {  	[tilespmem:$0x1FF50] =	vst v50;
	v1 =	vand.u32 $0xFFFF0000, v35;
	v56 =	vand.u32 $0xFFFF0000, v8;
	v8 =	vand.u32 $0x1, v11  }
0x54: {  	[tilespmem:$0x1FF40] =	vst v49;
	v21 =	vadd.s32 $0x7FFF, v21;
	v11 =	vadd.s32 $0x7FFF, v16;
	v30 =	vadd.s32 v8, v30  }
0x55: {  	[tilespmem:$0x1FF60] =	vst v1;
	v8 =	vshrl.u32 v29, $0x10;
	v57 =	vand.u32 $0xFFFF0000, v11;
	v11 =	vadd.s32 $0x7FFF, v28  }
0x56: {  	[tilespmem:$0x1FF70] =	vst v56;
	v28 =	vadd.s32 $0x7FFF, v55;
	v8 =	vand.u32 $0x1, v8;
	v58 =	vand.u32 $0xFFFF0000, v11  }
0x57: {  	[tilespmem:$0x1FF80] =	vst v57;
	v30 =	vadd.s32 $0x7FFF, v30;
	v29 =	vadd.s32 v8, v29;
	v8 =	vshrl.u32 v54, $0x10  }
0x58: {  	v61 =	vand.u32 $0xFFFF0000, v28;
	[tilespmem:$0x1FF90] =	vst v58;
	v62 =	vand.u32 $0xFFFF0000, v30;
	v59 =	vand.u32 $0x1, v8  }
0x59: {  	[tilespmem:$0x1FFA0] =	vst v61;
	v8 =	vand.u32 $0xFFFF0000, v21;
	v29 =	vadd.s32 $0x7FFF, v29;
	v21 =	vadd.s32 v59, v54  }
0x5a: {  	s15 =	simm.s32 $0xFFFFFFFC;
	v12 =	vadd.s32 $0x7FFF, v12;
	[tilespmem:$0x1FFC0] =	vst v62;
	v63 =	vand.u32 $0xFFFF0000, v29;
	v21 =	vadd.s32 $0x7FFF, v21  }
0x5b: {  	s16 =	simm.s32 $0x90;
	s17 =	simm.s32 $0x0;
	s18 =	simm.s32 $0x0;
	v7 =	vand.u32 $0xFFFF0000, v12;
	[tilespmem:$0x1FFD0] =	vst v63;
	v21 =	vand.u32 $0xFFFF0000, v21  }
.LBB2_2:
0x5c: {  	_ =	sdelay $0x3  }
0x5d: {  	v43 =	vor.u32 $0x2, v60  }
0x5e: {  	v42 =	vor.u32 $0x3, v60;
	v35 =	vor.u32 s18, v43  }
0x5f: {  	v37 =	vor.u32 s18, v42;
	_ =	sdelay $0x2  }
0x60: {  	v38 =	vor.u32 s18, v40  }
0x61: {  	v1 =	vld.idx.msk [tilespmem:v35+s2+$0x0], $0xffff  }
0x62: {  	v2 =	vld.idx.msk [tilespmem:v37+s2+$0x0], $0xffff;
	_ =	sdelay $0x2  }
0x63: {  	v0 =	vld.idx.msk [tilespmem:v38+s2+$0x0], $0xffff;
	_ =	sdelay $0x1  }
0x64: {  	v26 =	vcvt.s32.f32 v2;
	v39 =	vcvt.s32.f32 v1;
	_ =	sdelay $0x1  }
0x65: {  	v27 =	vshrl.u32 v26, $0x10;
	v41 =	vshrl.u32 v39, $0x10  }
0x66: {  	v44 =	vcvt.s32.f32 v0;
	v40 =	vand.u32 $0x1, v27;
	v41 =	vand.u32 $0x1, v41  }
0x67: {  	v38 =	vadd.s32 v40, v26;
	v39 =	vadd.s32 v41, v39  }
0x68: {  	v32 =	vshrl.u32 v44, $0x10;
	v38 =	vadd.s32 $0x7FFF, v38;
	v39 =	vadd.s32 $0x7FFF, v39  }
0x69: {  	v40 =	vand.u32 $0x1, v32;
	v38 =	vand.u32 $0xFFFF0000, v38;
	v39 =	vand.u32 $0xFFFF0000, v39  }
0x6a: {  	v40 =	vadd.s32 v40, v44;
	v38 =	vmul.f32 $2.001953130e-01, v38;
	v39 =	vmul.f32 $2.001953130e-01, v39  }
0x6b: {  	v30 =	vld [tilespmem:$0x1FEB0];
	v40 =	vadd.s32 $0x7FFF, v40  }
0x6c: {  	v24 =	vld [tilespmem:$0x1FF10];
	v40 =	vand.u32 $0xFFFF0000, v40;
	v38 =	vadd.f32 $0.0e+00, v38;
	v39 =	vadd.f32 $-4.000000000e+01, v39  }
0x6d: {  	v27 =	vld [tilespmem:$0x1FE90];
	v40 =	vmul.f32 $4.003906250e-01, v40  }
0x6e: {  	v32 =	vld [tilespmem:$0x1FEC0];
	v33 =	vshrl.u32 v38, $0x10;
	v34 =	vshrl.u32 v39, $0x10  }
0x6f: {  	v40 =	vadd.f32 $-3.000000000e+00, v40;
	v41 =	vand.u32 $0x1, v33;
	v44 =	vand.u32 $0x1, v34;
	v33 =	vld [tilespmem:$0x1FE80]  }
0x70: {  	v25 =	vld [tilespmem:$0x1FF20];
	v38 =	vadd.s32 v41, v38;
	v39 =	vadd.s32 v44, v39  }
0x71: {  	v28 =	vld [tilespmem:$0x1FEA0];
	v35 =	vshrl.u32 v40, $0x10;
	v38 =	vadd.s32 $0x7FFF, v38;
	v39 =	vadd.s32 $0x7FFF, v39  }
0x72: {  	v41 =	vand.u32 $0x1, v35;
	v38 =	vand.u32 $0xFFFF0000, v38;
	v39 =	vand.u32 $0xFFFF0000, v39  }
0x73: {  	v40 =	vadd.s32 v41, v40;
	v54 =	vmul.f32 v39, v27;
	v58 =	vmul.f32 v38, v30  }
0x74: {  	v40 =	vadd.s32 $0x7FFF, v40;
	v59 =	vmul.f32 v39, v32;
	v37 =	vmul.f32 v38, v33  }
0x75: {  	v40 =	vand.u32 $0xFFFF0000, v40;
	v62 =	vmul.f32 v38, v24;
	v52 =	vmul.f32 v39, v25  }
0x76: {  	v45 =	vmul.f32 v40, v28;
	v61 =	vadd.f32 v58, v59;
	v46 =	vadd.f32 v37, v54  }
0x77: {  	[tilespmem:$0x1FDE0] =	vst v1;
	v1 =	vld [tilespmem:$0x1FF30];
	v53 =	vadd.f32 v62, v52  }
0x78: {  	v63 =	vsub.f32 v61, v59;
	v47 =	vadd.f32 v46, v45  }
0x79: {  	v13 =	vsub.f32 v53, v52;
	v48 =	vsub.f32 v46, v54  }
0x7a: {  	v12 =	vsub.f32 v61, v63;
	v49 =	vsub.f32 v47, v45  }
0x7b: {  	v50 =	vsub.f32 v46, v48;
	v51 =	vadd.f32 v20, v47  }
0x7c: {  	v3 =	vmul.f32 v40, v1;
	v41 =	vsub.f32 v37, v48;
	v55 =	vsub.f32 v47, v49  }
0x7d: {  	v44 =	vsub.f32 v54, v50;
	v56 =	vsub.f32 v51, v20  }
0x7e: {  	v46 =	vsub.f32 v46, v49;
	v54 =	vadd.f32 v53, v3  }
0x7f: {  	v45 =	vsub.f32 v45, v55;
	v41 =	vadd.f32 v44, v41  }
0x80: {  	v57 =	vsub.f32 v51, v56;
	v47 =	vsub.f32 v47, v56  }
0x81: {  	v29 =	vld [tilespmem:$0x1FED0];
	v14 =	vsub.f32 v54, v3;
	v55 =	vsub.f32 v53, v13  }
0x82: {  	v56 =	vadd.f32 v31, v54;
	v45 =	vadd.f32 v45, v46  }
0x83: {  	v44 =	vsub.f32 v20, v57;
	v46 =	vsub.f32 v62, v13  }
0x84: {  	v15 =	vsub.f32 v54, v14;
	v52 =	vsub.f32 v52, v55  }
0x85: {  	v16 =	vsub.f32 v56, v31;
	v48 =	vsub.f32 v53, v14  }
0x86: {  	v57 =	vmul.f32 v40, v29;
	v44 =	vadd.f32 v44, v47;
	v41 =	vadd.f32 v45, v41  }
0x87: {  	v45 =	vsub.f32 v58, v63;
	v47 =	vsub.f32 v3, v15  }
0x88: {  	v17 =	vadd.f32 v61, v57;
	v34 =	vsub.f32 v56, v16  }
0x89: {  	v46 =	vadd.f32 v52, v46;
	v35 =	vsub.f32 v54, v16  }
0x8a: {  	v41 =	vadd.f32 v44, v41;
	v44 =	vsub.f32 v59, v12  }
0x8b: {  	v47 =	vadd.f32 v47, v48;
	v36 =	vsub.f32 v31, v34  }
0x8c: {  	v37 =	vsub.f32 v17, v57;
	v54 =	vadd.f32 v10, v17;
	v34 =	vld [tilespmem:$0x1FEE0]  }
0x8d: {  	v48 =	vadd.f32 v36, v35;
	v46 =	vadd.f32 v47, v46;
	v35 =	vld [tilespmem:$0x1FEF0]  }
0x8e: {  	v44 =	vadd.f32 v44, v45;
	v58 =	vsub.f32 v54, v10  }
0x8f: {  	v26 =	vld [tilespmem:$0x1FF00];
	v55 =	vsub.f32 v17, v37;
	v59 =	vsub.f32 v61, v37  }
0x90: {  	v46 =	vadd.f32 v48, v46;
	v61 =	vsub.f32 v54, v58  }
0x91: {  	v45 =	vsub.f32 v57, v55;
	v47 =	vsub.f32 v17, v58  }
0x92: {  	v38 =	vmul.f32 v38, v34;
	v46 =	vadd.f32 v46, v56;
	v39 =	vmul.f32 v39, v35  }
0x93: {  	v49 =	vsub.f32 v10, v61;
	v45 =	vadd.f32 v45, v59  }
0x94: {  	v40 =	vmul.f32 v40, v26;
	v63 =	vand.u32 $0x7FFFFFFF, v46;
	v62 =	vadd.f32 v38, v39  }
0x95: {  	v47 =	vadd.f32 v49, v47;
	v44 =	vadd.f32 v45, v44;
	vm0 =	vgt.f32 v63, $9.999999930e-09  }
0x96: {  	[tilespmem:$0x1FDF0] =	vst v0;
	v46 =	vnsel vm0, $0x322BCC77, v46;
	v0 =	vadd.f32 v62, v40  }
0x97: {  	[tilespmem:$0x1FDD0] =	vst v2;
	v44 =	vadd.f32 v47, v44;
	v2 =	vsub.f32 v62, v39;
	(erf) = vrcp.f32 v46  }
0x98: {  	v3 =	vsub.f32 v0, v40;
	v13 =	vadd.f32 v9, v0  }
0x99: {  	v12 =	vsub.f32 v62, v2;
	v38 =	vsub.f32 v38, v2  }
0x9a: {  	v14 =	vsub.f32 v0, v3;
	v15 =	vsub.f32 v13, v9  }
0x9b: {  	v39 =	vsub.f32 v39, v12;
	v45 =	vsub.f32 v62, v3  }
0x9c: {  	v40 =	vsub.f32 v40, v14;
	v16 =	vsub.f32 v13, v15  }
0x9d: {  	v38 =	vadd.f32 v39, v38;
	v49 =	vsub.f32 v0, v15  }
0x9e: {  	v17 =	vadd.f32 v40, v45;
	v52 =	vsub.f32 v9, v16  }
0x9f: {  	v41 =	vadd.f32 v41, v51;
	v44 =	vadd.f32 v44, v54  }
0xa0: {  	v53 =	vpop (erf);
	v40 =	vadd.f32 v52, v49;
	v38 =	vadd.f32 v17, v38  }
0xa1: {  	v41 =	vmul.f32 v53, v41;
	v44 =	vmul.f32 v53, v44  }
0xa2: {  	v22 =	vld [tilespmem:$0x1FF40];
	v38 =	vadd.f32 v40, v38  }
0xa3: {  	v48 =	vld [tilespmem:$0x1FF50];
	v54 =	vshrl.u32 v41, $0x10;
	v55 =	vshrl.u32 v44, $0x10  }
0xa4: {  	v36 =	vld [tilespmem:$0x1FF70];
	v40 =	vand.u32 $0x1, v54;
	v45 =	vand.u32 $0x1, v55;
	v38 =	vadd.f32 v38, v13  }
0xa5: {  	v46 =	vld [tilespmem:$0x1FF80];
	v40 =	vadd.s32 v40, v41;
	v56 =	vadd.s32 v45, v44  }
0xa6: {  	v40 =	vadd.s32 $0x7FFF, v40;
	v41 =	vadd.s32 $0x7FFF, v56;
	v38 =	vmul.f32 v53, v38  }
0xa7: {  	v39 =	vand.u32 $0xFFFF0000, v40;
	v40 =	vand.u32 $0xFFFF0000, v41  }
0xa8: {  	v47 =	vld [tilespmem:$0x1FF60];
	v58 =	vmul.f32 v39, v22;
	v59 =	vmul.f32 v40, v48;
	v57 =	vshrl.u32 v38, $0x10  }
0xa9: {  	v13 =	vor.u32 $0x42, v60;
	v55 =	vmul.f32 v39, v36;
	v41 =	vand.u32 $0x1, v57  }
0xaa: {  	s19 =	sadd.s32 $0x40, s18;
	v56 =	vmul.f32 v40, v46;
	v61 =	vadd.f32 v59, v58;
	v38 =	vadd.s32 v41, v38  }
0xab: {  	v17 =	vld [tilespmem:$0x1FFA0];
	v53 =	vor.u32 s19, v13;
	v38 =	vadd.s32 $0x7FFF, v38  }
0xac: {  	v37 =	vld [tilespmem:$0x1FFC0];
	v54 =	vadd.f32 v56, v55;
	v62 =	vsub.f32 v61, v59;
	v49 =	vand.u32 $0xFFFF0000, v38  }
0xad: {  	v15 =	vor.u32 $0x43, v60;
	v63 =	vmul.f32 v49, v47  }
0xae: {  	[tilespmem:$0x1FDB0] =	vst v15;
	v57 =	vor.u32 s19, v15;
	v15 =	vsub.f32 v54, v56;
	v0 =	vsub.f32 v61, v62  }
0xaf: {  	v38 =	vsub.f32 v58, v62;
	v51 =	vadd.f32 v61, v63  }
0xb0: {  	v58 =	vmul.f32 v39, v17;
	v52 =	vsub.f32 v55, v15;
	v2 =	vsub.f32 v59, v0  }
0xb1: {  	v59 =	vmul.f32 v40, v37;
	v40 =	vor.u32 $0x41, v60;
	v0 =	vld.idx.msk [tilespmem:v53+s2+$0x0], $0xffff;
	v3 =	vsub.f32 v51, v63  }
0xb2: {  	v60 =	vor.u32 s19, v40;
	v45 =	vadd.f32 v2, v38;
	v44 =	vadd.f32 v7, v51  }
0xb3: {  	v12 =	vsub.f32 v51, v3;
	v41 =	vsub.f32 v61, v3  }
0xb4: {  	v19 =	vld [tilespmem:$0x1FFD0];
	v14 =	vsub.f32 v44, v7;
	v61 =	vadd.f32 v59, v58  }
0xb5: {  	v38 =	vsub.f32 v54, v15;
	v3 =	vld.idx.msk [tilespmem:v57+s2+$0x0], $0xffff;
	v16 =	vsub.f32 v63, v12  }
0xb6: {  	v15 =	vcvt.s32.f32 v0;
	v12 =	vsub.f32 v44, v14;
	v62 =	vsub.f32 v61, v59  }
0xb7: {  	[tilespmem:$0x1FDA0] =	vst v13;
	v13 =	vsub.f32 v51, v14;
	v2 =	vld.idx.msk [tilespmem:v60+s2+$0x0], $0xffff  }
0xb8: {  	v39 =	vshrl.u32 v15, $0x10;
	v14 =	vsub.f32 v7, v12;
	v63 =	vsub.f32 v61, v62  }
0xb9: {  	v57 =	vmul.f32 v49, v19;
	v12 =	vsub.f32 v58, v62;
	v62 =	vand.u32 $0x1, v39  }
0xba: {  	v50 =	vadd.f32 v14, v13;
	v13 =	vsub.f32 v59, v63;
	v14 =	vcvt.s32.f32 v3  }
0xbb: {  	v53 =	vsub.f32 v56, v38;
	v51 =	vadd.f32 v16, v41;
	v56 =	vadd.s32 v62, v15  }
0xbc: {  	v58 =	vadd.f32 v13, v12;
	v38 =	vshrl.u32 v14, $0x10;
	v12 =	vcvt.s32.f32 v2  }
0xbd: {  	v59 =	vadd.f32 v61, v57;
	v56 =	vadd.s32 $0x7FFF, v56;
	v60 =	vand.u32 $0x1, v38  }
0xbe: {  	v56 =	vand.u32 $0xFFFF0000, v56;
	v41 =	vadd.s32 v60, v14;
	v14 =	vshrl.u32 v12, $0x10  }
0xbf: {  	v39 =	vld [tilespmem:$0x1FF90];
	v16 =	vsub.f32 v59, v57;
	v41 =	vadd.s32 $0x7FFF, v41;
	v60 =	vand.u32 $0x1, v14  }
0xc0: {  	v56 =	vmul.f32 $2.001953130e-01, v56;
	v41 =	vand.u32 $0xFFFF0000, v41;
	v60 =	vadd.s32 v60, v12  }
0xc1: {  	v62 =	vadd.f32 v21, v59;
	v60 =	vadd.s32 $0x7FFF, v60;
	v41 =	vmul.f32 $2.001953130e-01, v41  }
0xc2: {  	v13 =	vsub.f32 v59, v16;
	v61 =	vsub.f32 v61, v16;
	v15 =	vand.u32 $0xFFFF0000, v60  }
0xc3: {  	v56 =	vadd.f32 $-4.000000000e+01, v56;
	v41 =	vadd.f32 $0.0e+00, v41;
	v60 =	vmul.f32 $4.003906250e-01, v15  }
0xc4: {  	[tilespmem:$0x1FE10] =	vst v0;
	v55 =	vmul.f32 v49, v39;
	v49 =	vsub.f32 v62, v21;
	v0 =	vsub.f32 v57, v13  }
0xc5: {  	v38 =	vshrl.u32 v56, $0x10;
	v16 =	vshrl.u32 v41, $0x10;
	v60 =	vadd.f32 $-3.000000000e+00, v60  }
0xc6: {  	v12 =	vsub.f32 v62, v49;
	v63 =	vand.u32 $0x1, v38;
	v57 =	vand.u32 $0x1, v16  }
0xc7: {  	v56 =	vadd.s32 v63, v56;
	v41 =	vadd.s32 v57, v41;
	v13 =	vshrl.u32 v60, $0x10  }
0xc8: {  	v56 =	vadd.s32 $0x7FFF, v56;
	v41 =	vadd.s32 $0x7FFF, v41;
	v57 =	vand.u32 $0x1, v13  }
0xc9: {  	[tilespmem:$0x1FE20] =	vst v2;
	v2 =	vand.u32 $0xFFFF0000, v56;
	v63 =	vand.u32 $0xFFFF0000, v41;
	v14 =	vadd.s32 v57, v60  }
0xca: {  	v16 =	vmul.f32 v2, v27;
	v41 =	vadd.s32 $0x7FFF, v14;
	v15 =	vmul.f32 v63, v33  }
0xcb: {  	[tilespmem:$0x1FE00] =	vst v3;
	v49 =	vsub.f32 v59, v49;
	v3 =	vsub.f32 v21, v12;
	v59 =	vand.u32 $0xFFFF0000, v41  }
0xcc: {  	v0 =	vadd.f32 v0, v61;
	v41 =	vmul.f32 v59, v28;
	v38 =	vadd.f32 v15, v16  }
0xcd: {  	v3 =	vadd.f32 v3, v49  }
0xce: {  	v0 =	vadd.f32 v0, v58;
	v12 =	vadd.f32 v38, v41  }
0xcf: {  	v56 =	vadd.f32 v54, v55;
	v4 =	vsub.f32 v38, v16  }
0xd0: {  	v0 =	vadd.f32 v3, v0;
	v13 =	vsub.f32 v12, v41  }
0xd1: {  	v5 =	vsub.f32 v38, v4;
	v6 =	vadd.f32 v20, v12  }
0xd2: {  	v4 =	vsub.f32 v15, v4;
	v14 =	vsub.f32 v12, v13  }
0xd3: {  	v5 =	vsub.f32 v16, v5;
	v15 =	vsub.f32 v6, v20  }
0xd4: {  	v3 =	vsub.f32 v38, v13;
	v41 =	vsub.f32 v41, v14  }
0xd5: {  	v4 =	vadd.f32 v5, v4;
	v5 =	vsub.f32 v6, v15  }
0xd6: {  	v16 =	vmul.f32 v63, v30;
	v38 =	vmul.f32 v2, v32;
	v14 =	vsub.f32 v12, v15  }
0xd7: {  	v3 =	vadd.f32 v41, v3;
	v5 =	vsub.f32 v20, v5  }
0xd8: {  	v11 =	vmul.f32 v2, v25;
	v60 =	vmul.f32 v63, v24;
	v49 =	vadd.f32 v16, v38  }
0xd9: {  	v5 =	vadd.f32 v5, v14;
	v3 =	vadd.f32 v3, v4  }
0xda: {  	v13 =	vadd.f32 v60, v11;
	v12 =	vmul.f32 v59, v1;
	v4 =	vsub.f32 v49, v38  }
0xdb: {  	v23 =	vmov v1;
	v1 =	vadd.f32 v0, v62;
	v0 =	vadd.f32 v5, v3  }
0xdc: {  	v15 =	vsub.f32 v49, v4;
	v5 =	vadd.f32 v13, v12  }
0xdd: {  	v4 =	vsub.f32 v16, v4;
	v16 =	vsub.f32 v13, v11  }
0xde: {  	v58 =	vsub.f32 v56, v55;
	v3 =	vsub.f32 v38, v15  }
0xdf: {  	v61 =	vsub.f32 v5, v12;
	v38 =	vsub.f32 v13, v16  }
0xe0: {  	v14 =	vadd.f32 v31, v5;
	v57 =	vsub.f32 v60, v16  }
0xe1: {  	v15 =	vmul.f32 v59, v29;
	v41 =	vsub.f32 v5, v61;
	v11 =	vsub.f32 v11, v38  }
0xe2: {  	v38 =	vsub.f32 v14, v31;
	v13 =	vsub.f32 v13, v61  }
0xe3: {  	v60 =	vadd.f32 v49, v15;
	v3 =	vadd.f32 v3, v4  }
0xe4: {  	v12 =	vsub.f32 v12, v41;
	v41 =	vsub.f32 v14, v38  }
0xe5: {  	v11 =	vadd.f32 v11, v57;
	v5 =	vsub.f32 v5, v38  }
0xe6: {  	v12 =	vadd.f32 v12, v13;
	v16 =	vsub.f32 v31, v41  }
0xe7: {  	v2 =	vmul.f32 v2, v35;
	v38 =	vsub.f32 v60, v15;
	v61 =	vadd.f32 v10, v60  }
0xe8: {  	v62 =	vmul.f32 v59, v26;
	v5 =	vadd.f32 v16, v5;
	v11 =	vadd.f32 v12, v11  }
0xe9: {  	v41 =	vand.u32 $0x7FFFFFFF, v1;
	v4 =	vsub.f32 v60, v38;
	v13 =	vsub.f32 v61, v10  }
0xea: {  	v5 =	vadd.f32 v5, v11;
	v11 =	vsub.f32 v49, v38;
	v38 =	vmul.f32 v63, v34  }
0xeb: {  	vm6 =	vgt.f32 v41, $9.999999930e-09;
	v57 =	vsub.f32 v61, v13;
	v4 =	vsub.f32 v15, v4  }
0xec: {  	v16 =	vnsel vm6, $0x322BCC77, v1;
	v5 =	vadd.f32 v5, v14;
	v63 =	vadd.f32 v38, v2  }
0xed: {  	v13 =	vsub.f32 v60, v13;
	(erf) = vrcp.f32 v16;
	v12 =	vsub.f32 v10, v57  }
0xee: {  	[tilespmem:$0x1FDC0] =	vst v1;
	v4 =	vadd.f32 v4, v11;
	v1 =	vand.u32 $0x7FFFFFFF, v5;
	v11 =	vadd.f32 v63, v62  }
0xef: {  	v12 =	vadd.f32 v12, v13;
	v16 =	vsub.f32 v63, v2;
	vm7 =	vgt.f32 v1, $9.999999930e-09  }
0xf0: {  	v3 =	vadd.f32 v4, v3;
	v5 =	vnsel vm7, $0x322BCC77, v5;
	v4 =	vsub.f32 v11, v62  }
0xf1: {  	v41 =	vmovc v26;
	v26 =	vadd.f32 v9, v11;
	(erf) = vrcp.f32 v5;
	v5 =	vsub.f32 v63, v16  }
0xf2: {  	v13 =	vsub.f32 v38, v16;
	v38 =	vsub.f32 v11, v4  }
0xf3: {  	v2 =	vsub.f32 v2, v5;
	v5 =	vsub.f32 v26, v9  }
0xf4: {  	v4 =	vsub.f32 v63, v4;
	v14 =	vsub.f32 v62, v38  }
0xf5: {  	v3 =	vadd.f32 v12, v3;
	v59 =	vsub.f32 v26, v5  }
0xf6: {  	v2 =	vadd.f32 v2, v13;
	v4 =	vadd.f32 v14, v4  }
0xf7: {  	v5 =	vsub.f32 v11, v5;
	v11 =	vsub.f32 v9, v59  }
0xf8: {  	v0 =	vadd.f32 v0, v6;
	v3 =	vadd.f32 v3, v61  }
0xf9: {  	v49 =	vpop (erf);
	v2 =	vadd.f32 v4, v2;
	v5 =	vadd.f32 v11, v5  }
0xfa: {  	v6 =	vsub.f32 v56, v58;
	v61 =	vadd.f32 v8, v56;
	v4 =	vpop (erf)  }
0xfb: {  	v0 =	vmul.f32 v4, v0;
	v3 =	vmul.f32 v4, v3;
	v2 =	vadd.f32 v5, v2  }
0xfc: {  	v11 =	vsub.f32 v54, v58;
	v5 =	vsub.f32 v55, v6  }
0xfd: {  	v6 =	vshrl.u32 v0, $0x10;
	v60 =	vshrl.u32 v3, $0x10;
	v2 =	vadd.f32 v2, v26  }
0xfe: {  	v26 =	vadd.f32 v53, v52;
	v5 =	vadd.f32 v5, v11;
	v6 =	vand.u32 $0x1, v6  }
0xff: {  	v12 =	vand.u32 $0x1, v60;
	v0 =	vadd.s32 v6, v0;
	v2 =	vmul.f32 v4, v2  }
0x100: {  	v3 =	vadd.s32 v12, v3;
	v4 =	vsub.f32 v61, v8;
	v0 =	vadd.s32 $0x7FFF, v0  }
0x101: {  	v3 =	vadd.s32 $0x7FFF, v3;
	v0 =	vand.u32 $0xFFFF0000, v0;
	v6 =	vshrl.u32 v2, $0x10  }
0x102: {  	v3 =	vand.u32 $0xFFFF0000, v3;
	v38 =	vsub.f32 v61, v4;
	v6 =	vand.u32 $0x1, v6  }
0x103: {  	v4 =	vsub.f32 v56, v4;
	v62 =	vmul.f32 v0, v22;
	v2 =	vadd.s32 v6, v2  }
0x104: {  	v63 =	vmul.f32 v3, v48;
	v11 =	vsub.f32 v8, v38;
	v2 =	vadd.s32 $0x7FFF, v2  }
0x105: {  	v5 =	vadd.f32 v5, v26;
	v2 =	vand.u32 $0xFFFF0000, v2  }
0x106: {  	v6 =	vadd.f32 v63, v62;
	v4 =	vadd.f32 v11, v4;
	v11 =	vmul.f32 v2, v47;
	_ =	sdelay $0x1  }
0x107: {  	v4 =	vadd.f32 v4, v5;
	v5 =	vadd.f32 v6, v11;
	_ =	sdelay $0x1  }
0x108: {  	v54 =	vsub.f32 v6, v63;
	v52 =	vadd.f32 v7, v5  }
0x109: {  	v45 =	vadd.f32 v51, v45  }
0x10a: {  	v56 =	vsub.f32 v6, v54;
	v58 =	vsub.f32 v52, v7  }
0x10b: {  	v55 =	vadd.f32 v50, v45;
	v12 =	vsub.f32 v62, v54  }
0x10c: {  	s23 =	sadd.s32 $0x80, s18;
	v60 =	vmul.f32 v0, v36;
	v14 =	vsub.f32 v63, v56;
	v16 =	vsub.f32 v52, v58  }
0x10d: {  	v62 =	vor.u32 s23, v42;
	v50 =	vadd.f32 v4, v61;
	v57 =	vsub.f32 v5, v11  }
0x10e: {  	v61 =	vmul.f32 v3, v46;
	v4 =	vadd.f32 v14, v12;
	v12 =	vsub.f32 v7, v16;
	v16 =	vld [tilespmem:$0x1FFE0]  }
0x10f: {  	v59 =	vor.u32 s23, v43;
	v63 =	vsub.f32 v5, v57  }
0x110: {  	v51 =	vadd.f32 v55, v44;
	v54 =	vadd.f32 v61, v60  }
0x111: {  	v6 =	vsub.f32 v6, v57;
	v11 =	vsub.f32 v11, v63  }
0x112: {  	v0 =	vmul.f32 v0, v17;
	v26 =	vsub.f32 v54, v61;
	v5 =	vsub.f32 v5, v58  }
0x113: {  	v3 =	vmul.f32 v3, v37;
	v43 =	vld.idx.msk [tilespmem:v62+s2+$0x0], $0xffff;
	v6 =	vadd.f32 v11, v6;
	v42 =	vor.u32 s23, v16  }
0x114: {  	v14 =	vld.idx.msk [tilespmem:v59+s2+$0x0], $0xffff;
	v53 =	vadd.f32 v12, v5;
	v5 =	vsub.f32 v54, v26  }
0x115: {  	v55 =	vadd.f32 v6, v4;
	v4 =	vadd.f32 v3, v0  }
0x116: {  	v6 =	vsub.f32 v60, v26;
	v5 =	vsub.f32 v61, v5  }
0x117: {  	v58 =	vmul.f32 v2, v39  }
0x118: {  	v11 =	vsub.f32 v4, v3;
	v56 =	vadd.f32 v5, v6;
	v5 =	vcvt.s32.f32 v43;
	v60 =	vld.idx.msk [tilespmem:v42+s2+$0x0], $0xffff  }
0x119: {  	v2 =	vmul.f32 v2, v19;
	v6 =	vcvt.s32.f32 v14  }
0x11a: {  	v61 =	vsub.f32 v4, v11;
	v0 =	vsub.f32 v0, v11;
	v11 =	vshrl.u32 v5, $0x10  }
0x11b: {  	v62 =	vshrl.u32 v6, $0x10;
	v11 =	vand.u32 $0x1, v11  }
0x11c: {  	[tilespmem:$0x1FE40] =	vst v14;
	v14 =	vadd.f32 v4, v2;
	v13 =	vand.u32 $0x1, v62;
	v5 =	vadd.s32 v11, v5  }
0x11d: {  	v6 =	vadd.s32 v13, v6;
	v5 =	vadd.s32 $0x7FFF, v5;
	v11 =	vcvt.s32.f32 v60  }
0x11e: {  	v63 =	vsub.f32 v14, v2;
	v6 =	vadd.s32 $0x7FFF, v6;
	v5 =	vand.u32 $0xFFFF0000, v5  }
0x11f: {  	v6 =	vand.u32 $0xFFFF0000, v6;
	v5 =	vmul.f32 $2.001953130e-01, v5;
	v15 =	vshrl.u32 v11, $0x10  }
0x120: {  	v3 =	vsub.f32 v3, v61;
	v6 =	vmul.f32 $2.001953130e-01, v6;
	v15 =	vand.u32 $0x1, v15  }
0x121: {  	v38 =	vmovc v17;
	v17 =	vsub.f32 v14, v63;
	v5 =	vadd.f32 $0.0e+00, v5;
	v11 =	vadd.s32 v15, v11  }
0x122: {  	v4 =	vsub.f32 v4, v63;
	v6 =	vadd.f32 $-4.000000000e+01, v6;
	v11 =	vadd.s32 $0x7FFF, v11  }
0x123: {  	v0 =	vadd.f32 v3, v0;
	v26 =	vshrl.u32 v5, $0x10;
	v11 =	vand.u32 $0xFFFF0000, v11  }
0x124: {  	v42 =	vshrl.u32 v6, $0x10;
	v15 =	vadd.f32 v21, v14;
	v11 =	vmul.f32 $4.003906250e-01, v11  }
0x125: {  	v2 =	vsub.f32 v2, v17;
	v12 =	vand.u32 $0x1, v26;
	v13 =	vand.u32 $0x1, v42  }
0x126: {  	[tilespmem:$0x1FE30] =	vst v43;
	v5 =	vadd.s32 v12, v5;
	v43 =	vsub.f32 v15, v21;
	v11 =	vadd.f32 $-3.000000000e+00, v11  }
0x127: {  	v2 =	vadd.f32 v2, v4;
	v6 =	vadd.s32 v13, v6;
	v5 =	vadd.s32 $0x7FFF, v5  }
0x128: {  	v6 =	vadd.s32 $0x7FFF, v6;
	v42 =	vsub.f32 v15, v43;
	v16 =	vshrl.u32 v11, $0x10  }
0x129: {  	v5 =	vand.u32 $0xFFFF0000, v5;
	v6 =	vand.u32 $0xFFFF0000, v6;
	v13 =	vand.u32 $0x1, v16  }
0x12a: {  	v12 =	vsub.f32 v14, v43;
	v3 =	vsub.f32 v21, v42;
	v11 =	vadd.s32 v13, v11  }
0x12b: {  	v17 =	vmul.f32 v5, v33;
	v26 =	vmul.f32 v6, v27;
	v4 =	vadd.s32 $0x7FFF, v11  }
0x12c: {  	v0 =	vadd.f32 v2, v0;
	v3 =	vadd.f32 v3, v12;
	v4 =	vand.u32 $0xFFFF0000, v4  }
0x12d: {  	v11 =	vadd.f32 v17, v26;
	v14 =	vmul.f32 v4, v28  }
0x12e: {  	v57 =	vadd.f32 v54, v58;
	v0 =	vadd.f32 v3, v0  }
0x12f: {  	v43 =	vsub.f32 v11, v26;
	v12 =	vadd.f32 v11, v14  }
0x130: {  	v59 =	vsub.f32 v57, v58;
	v45 =	vadd.f32 v0, v15  }
0x131: {  	[tilespmem:$0x1FE50] =	vst v60;
	v61 =	vmul.f32 v5, v30;
	v16 =	vsub.f32 v11, v43;
	v60 =	vadd.f32 v20, v12  }
0x132: {  	v17 =	vsub.f32 v17, v43;
	v43 =	vmul.f32 v6, v32;
	v0 =	vsub.f32 v12, v14  }
0x133: {  	v2 =	vsub.f32 v26, v16;
	v26 =	vsub.f32 v60, v20  }
0x134: {  	v15 =	vadd.f32 v61, v43;
	v42 =	vsub.f32 v12, v0  }
0x135: {  	v0 =	vsub.f32 v11, v0;
	v11 =	vsub.f32 v60, v26  }
0x136: {  	v2 =	vadd.f32 v2, v17;
	v14 =	vsub.f32 v14, v42  }
0x137: {  	v3 =	vsub.f32 v12, v26;
	v11 =	vsub.f32 v20, v11  }
0x138: {  	v26 =	vsub.f32 v15, v43;
	v0 =	vadd.f32 v14, v0  }
0x139: {  	v14 =	vmul.f32 v6, v25;
	v3 =	vadd.f32 v11, v3;
	v11 =	vmul.f32 v5, v24  }
0x13a: {  	v13 =	vsub.f32 v57, v59;
	v42 =	vsub.f32 v15, v26  }
0x13b: {  	v0 =	vadd.f32 v0, v2;
	v2 =	vmul.f32 v4, v29;
	v16 =	vadd.f32 v11, v14  }
0x13c: {  	v12 =	vsub.f32 v61, v26;
	v61 =	vmul.f32 v4, v23;
	v62 =	vsub.f32 v43, v42  }
0x13d: {  	v63 =	vadd.f32 v15, v2;
	v43 =	vsub.f32 v16, v14  }
0x13e: {  	v12 =	vadd.f32 v62, v12;
	v18 =	vadd.f32 v16, v61  }
0x13f: {  	v44 =	vmov v19;
	v42 =	vsub.f32 v63, v2;
	v19 =	vsub.f32 v16, v43  }
0x140: {  	v1 =	vmov v22;
	v22 =	vsub.f32 v18, v61;
	v11 =	vsub.f32 v11, v43  }
0x141: {  	v26 =	vmov v23;
	v17 =	vadd.f32 v31, v18;
	v23 =	vsub.f32 v63, v42  }
0x142: {  	v14 =	vsub.f32 v14, v19;
	v19 =	vsub.f32 v18, v22  }
0x143: {  	v16 =	vsub.f32 v16, v22;
	v22 =	vsub.f32 v17, v31  }
0x144: {  	v15 =	vsub.f32 v15, v42;
	v2 =	vsub.f32 v2, v23  }
0x145: {  	v19 =	vsub.f32 v61, v19;
	v43 =	vsub.f32 v17, v22  }
0x146: {  	v11 =	vadd.f32 v14, v11;
	v18 =	vsub.f32 v18, v22  }
0x147: {  	v6 =	vmul.f32 v6, v35;
	v16 =	vadd.f32 v19, v16;
	v14 =	vsub.f32 v31, v43  }
0x148: {  	v5 =	vmul.f32 v5, v34;
	v61 =	vadd.f32 v10, v63;
	v2 =	vadd.f32 v2, v15  }
0x149: {  	v14 =	vadd.f32 v14, v18;
	v11 =	vadd.f32 v16, v11  }
0x14a: {  	v22 =	vadd.f32 v5, v6;
	v19 =	vsub.f32 v61, v10  }
0x14b: {  	v4 =	vmul.f32 v4, v41;
	v2 =	vadd.f32 v2, v12;
	v11 =	vadd.f32 v14, v11  }
0x14c: {  	v42 =	vand.u32 $0x7FFFFFFF, v45;
	v18 =	vsub.f32 v61, v19;
	v43 =	vsub.f32 v63, v19  }
0x14d: {  	vm8 =	vgt.f32 v42, $9.999999930e-09;
	v19 =	vadd.f32 v22, v4;
	v11 =	vadd.f32 v11, v17  }
0x14e: {  	v63 =	vsub.f32 v22, v6;
	v62 =	vsub.f32 v10, v18;
	v18 =	vnsel vm8, $0x322BCC77, v45  }
0x14f: {  	v42 =	vsub.f32 v19, v4;
	v23 =	vadd.f32 v9, v19;
	v17 =	vand.u32 $0x7FFFFFFF, v11  }
0x150: {  	(erf) = vrcp.f32 v18;
	v18 =	vsub.f32 v22, v63;
	vm9 =	vgt.f32 v17, $9.999999930e-09  }
0x151: {  	v14 =	vadd.f32 v62, v43;
	v43 =	vsub.f32 v19, v42;
	v11 =	vnsel vm9, $0x322BCC77, v11  }
0x152: {  	v5 =	vsub.f32 v5, v63;
	v62 =	vsub.f32 v23, v9;
	(erf) = vrcp.f32 v11  }
0x153: {  	v6 =	vsub.f32 v6, v18;
	v4 =	vsub.f32 v4, v43  }
0x154: {  	v63 =	vsub.f32 v23, v62;
	v11 =	vsub.f32 v22, v42  }
0x155: {  	v5 =	vadd.f32 v6, v5;
	v6 =	vsub.f32 v19, v62  }
0x156: {  	v4 =	vadd.f32 v4, v11;
	v11 =	vsub.f32 v9, v63  }
0x157: {  	v0 =	vadd.f32 v3, v0;
	v2 =	vadd.f32 v14, v2  }
0x158: {  	v15 =	vadd.f32 v11, v6;
	v4 =	vadd.f32 v4, v5  }
0x159: {  	v0 =	vadd.f32 v0, v60;
	v2 =	vadd.f32 v2, v61  }
0x15a: {  	v5 =	vsub.f32 v54, v59;
	v54 =	vpop (erf);
	v3 =	vadd.f32 v15, v4  }
0x15b: {  	v6 =	vadd.f32 v8, v57;
	v4 =	vsub.f32 v58, v13;
	v11 =	vpop (erf)  }
0x15c: {  	v3 =	vadd.f32 v3, v23;
	v0 =	vmul.f32 v11, v0;
	v2 =	vmul.f32 v11, v2  }
0x15d: {  	v4 =	vadd.f32 v4, v5;
	v5 =	vsub.f32 v6, v8  }
0x15e: {  	v3 =	vmul.f32 v11, v3;
	v16 =	vshrl.u32 v0, $0x10;
	v17 =	vshrl.u32 v2, $0x10  }
0x15f: {  	v11 =	vsub.f32 v6, v5;
	v12 =	vand.u32 $0x1, v16;
	v13 =	vand.u32 $0x1, v17  }
0x160: {  	v42 =	vshrl.u32 v3, $0x10;
	v0 =	vadd.s32 v12, v0;
	v2 =	vadd.s32 v13, v2  }
0x161: {  	v12 =	vand.u32 $0x1, v42;
	v0 =	vadd.s32 $0x7FFF, v0;
	v2 =	vadd.s32 $0x7FFF, v2  }
0x162: {  	v3 =	vadd.s32 v12, v3;
	v0 =	vand.u32 $0xFFFF0000, v0;
	v2 =	vand.u32 $0xFFFF0000, v2  }
0x163: {  	v3 =	vadd.s32 $0x7FFF, v3;
	v12 =	vmul.f32 v0, v1;
	v43 =	vmul.f32 v2, v48  }
0x164: {  	v5 =	vsub.f32 v57, v5;
	v3 =	vand.u32 $0xFFFF0000, v3  }
0x165: {  	v11 =	vsub.f32 v8, v11;
	v58 =	vmul.f32 v3, v47;
	v59 =	vadd.f32 v43, v12  }
0x166: {  	v4 =	vadd.f32 v4, v56  }
0x167: {  	v5 =	vadd.f32 v11, v5;
	v17 =	vadd.f32 v59, v58  }
0x168: {  	v11 =	vsub.f32 v59, v43  }
0x169: {  	v4 =	vadd.f32 v5, v4;
	v42 =	vsub.f32 v17, v58  }
0x16a: {  	v5 =	vsub.f32 v59, v11  }
0x16b: {  	v61 =	vadd.f32 v4, v6;
	v6 =	vsub.f32 v17, v42  }
0x16c: {  	v4 =	vsub.f32 v12, v11;
	v5 =	vsub.f32 v43, v5  }
0x16d: {  	v11 =	vsub.f32 v59, v42;
	v6 =	vsub.f32 v58, v6  }
0x16e: {  	v57 =	vadd.f32 v53, v55;
	v55 =	vadd.f32 v5, v4;
	v5 =	vld [tilespmem:$0x1FDA0]  }
0x16f: {  	v56 =	vadd.f32 v6, v11;
	v11 =	vld [tilespmem:$0x1FDB0];
	_ =	sdelay $0x1  }
0x170: {  	v53 =	vadd.f32 v7, v17  }
0x171: {  	s24 =	sadd.s32 $0xC0, s18;
	v13 =	vmul.f32 v2, v46;
	v12 =	vmul.f32 v0, v36  }
0x172: {  	v4 =	vsub.f32 v53, v7;
	v5 =	vor.u32 s24, v5  }
0x173: {  	v6 =	vadd.f32 v13, v12;
	v11 =	vor.u32 s24, v11  }
0x174: {  	v63 =	vor.u32 s24, v40;
	v60 =	vadd.f32 v57, v52;
	v43 =	vsub.f32 v53, v4  }
0x175: {  	v2 =	vmul.f32 v2, v37;
	v52 =	vmul.f32 v3, v39;
	v62 =	vsub.f32 v6, v13  }
0x176: {  	v0 =	vmul.f32 v0, v38;
	v4 =	vsub.f32 v17, v4;
	v14 =	vsub.f32 v7, v43  }
0x177: {  	v59 =	vadd.f32 v6, v52;
	v18 =	vsub.f32 v6, v62;
	v43 =	vld.idx.msk [tilespmem:v5+s2+$0x0], $0xffff  }
0x178: {  	v5 =	vsub.f32 v12, v62;
	v12 =	vadd.f32 v2, v0;
	v42 =	vld.idx.msk [tilespmem:v11+s2+$0x0], $0xffff  }
0x179: {  	v40 =	vmov v38;
	v38 =	vld.idx.msk [tilespmem:v63+s2+$0x0], $0xffff;
	v16 =	vsub.f32 v59, v52;
	v11 =	vsub.f32 v13, v18  }
0x17a: {  	v57 =	vadd.f32 v14, v4;
	v4 =	vsub.f32 v12, v2  }
0x17b: {  	v58 =	vadd.f32 v11, v5;
	v5 =	vsub.f32 v59, v16  }
0x17c: {  	v3 =	vmul.f32 v3, v44;
	v62 =	vsub.f32 v6, v16;
	v6 =	vsub.f32 v12, v4  }
0x17d: {  	v11 =	vcvt.s32.f32 v43;
	v63 =	vsub.f32 v52, v5;
	v5 =	vcvt.s32.f32 v42  }
0x17e: {  	v17 =	vcvt.s32.f32 v38;
	v14 =	vadd.f32 v12, v3;
	v0 =	vsub.f32 v0, v4  }
0x17f: {  	v2 =	vsub.f32 v2, v6;
	v6 =	vshrl.u32 v11, $0x10;
	v4 =	vshrl.u32 v5, $0x10  }
0x180: {  	v13 =	vadd.f32 v21, v14;
	v6 =	vand.u32 $0x1, v6;
	v4 =	vand.u32 $0x1, v4  }
0x181: {  	v4 =	vadd.s32 v4, v5;
	v5 =	vadd.s32 v6, v11;
	v6 =	vshrl.u32 v17, $0x10  }
0x182: {  	v4 =	vadd.s32 $0x7FFF, v4;
	v5 =	vadd.s32 $0x7FFF, v5;
	v6 =	vand.u32 $0x1, v6  }
0x183: {  	v4 =	vand.u32 $0xFFFF0000, v4;
	v5 =	vand.u32 $0xFFFF0000, v5;
	v6 =	vadd.s32 v6, v17  }
0x184: {  	v6 =	vadd.s32 $0x7FFF, v6;
	v4 =	vmul.f32 $2.001953130e-01, v4;
	v5 =	vmul.f32 $2.001953130e-01, v5  }
0x185: {  	v0 =	vadd.f32 v2, v0;
	v2 =	vsub.f32 v14, v3;
	v6 =	vand.u32 $0xFFFF0000, v6  }
0x186: {  	v4 =	vadd.f32 $0.0e+00, v4;
	v5 =	vadd.f32 $-4.000000000e+01, v5;
	v6 =	vmul.f32 $4.003906250e-01, v6  }
0x187: {  	v11 =	vsub.f32 v14, v2;
	v2 =	vsub.f32 v12, v2  }
0x188: {  	v15 =	vshrl.u32 v4, $0x10;
	v52 =	vshrl.u32 v5, $0x10;
	v6 =	vadd.f32 $-3.000000000e+00, v6  }
0x189: {  	v17 =	vsub.f32 v13, v21;
	v15 =	vand.u32 $0x1, v15;
	v16 =	vand.u32 $0x1, v52  }
0x18a: {  	v4 =	vadd.s32 v15, v4;
	v5 =	vadd.s32 v16, v5;
	v52 =	vshrl.u32 v6, $0x10  }
0x18b: {  	v4 =	vadd.s32 $0x7FFF, v4;
	v5 =	vadd.s32 $0x7FFF, v5;
	v15 =	vand.u32 $0x1, v52  }
0x18c: {  	v4 =	vand.u32 $0xFFFF0000, v4;
	v5 =	vand.u32 $0xFFFF0000, v5;
	v6 =	vadd.s32 v15, v6  }
0x18d: {  	v6 =	vadd.s32 $0x7FFF, v6;
	v15 =	vmul.f32 v4, v33;
	v16 =	vmul.f32 v5, v27  }
0x18e: {  	v3 =	vsub.f32 v3, v11;
	v27 =	vsub.f32 v13, v17;
	v6 =	vand.u32 $0xFFFF0000, v6  }
0x18f: {  	v14 =	vsub.f32 v14, v17;
	v11 =	vmul.f32 v6, v28;
	v18 =	vadd.f32 v15, v16  }
0x190: {  	v2 =	vadd.f32 v3, v2;
	v12 =	vsub.f32 v21, v27  }
0x191: {  	v3 =	vadd.f32 v18, v11;
	v33 =	vsub.f32 v18, v16  }
0x192: {  	v0 =	vadd.f32 v2, v0;
	v12 =	vadd.f32 v12, v14  }
0x193: {  	v2 =	vsub.f32 v3, v11;
	v52 =	vsub.f32 v18, v33  }
0x194: {  	v19 =	vadd.f32 v20, v3;
	v14 =	vsub.f32 v15, v33  }
0x195: {  	v0 =	vadd.f32 v12, v0;
	v27 =	vsub.f32 v3, v2  }
0x196: {  	v16 =	vsub.f32 v16, v52;
	v33 =	vsub.f32 v19, v20  }
0x197: {  	v2 =	vsub.f32 v18, v2;
	v11 =	vsub.f32 v11, v27  }
0x198: {  	v14 =	vadd.f32 v16, v14;
	v52 =	vsub.f32 v19, v33  }
0x199: {  	v16 =	vmul.f32 v5, v32;
	v2 =	vadd.f32 v11, v2;
	v11 =	vmul.f32 v4, v30  }
0x19a: {  	v3 =	vsub.f32 v3, v33;
	v15 =	vsub.f32 v20, v52  }
0x19b: {  	v24 =	vmul.f32 v4, v24;
	v12 =	vmul.f32 v6, v29;
	v27 =	vadd.f32 v11, v16  }
0x19c: {  	v25 =	vmul.f32 v5, v25;
	v52 =	vadd.f32 v0, v13;
	v3 =	vadd.f32 v15, v3  }
0x19d: {  	v2 =	vadd.f32 v2, v14;
	v0 =	vadd.f32 v27, v12  }
0x19e: {  	v22 =	vadd.f32 v24, v25;
	v32 =	vsub.f32 v27, v16  }
0x19f: {  	v17 =	vmul.f32 v6, v26;
	v2 =	vadd.f32 v3, v2;
	v33 =	vsub.f32 v0, v12  }
0x1a0: {  	v18 =	vsub.f32 v27, v32;
	v3 =	vsub.f32 v11, v32  }
0x1a1: {  	v32 =	vadd.f32 v22, v17;
	v2 =	vadd.f32 v2, v19  }
0x1a2: {  	v11 =	vsub.f32 v0, v33;
	v16 =	vsub.f32 v16, v18  }
0x1a3: {  	v13 =	vsub.f32 v27, v33;
	v27 =	vsub.f32 v22, v25  }
0x1a4: {  	v18 =	vadd.f32 v10, v0;
	v11 =	vsub.f32 v12, v11  }
0x1a5: {  	v3 =	vadd.f32 v16, v3;
	v33 =	vsub.f32 v22, v27  }
0x1a6: {  	v5 =	vmul.f32 v5, v35;
	v12 =	vsub.f32 v24, v27;
	v24 =	vadd.f32 v31, v32  }
0x1a7: {  	v4 =	vmul.f32 v4, v34;
	v27 =	vsub.f32 v18, v10;
	v11 =	vadd.f32 v11, v13  }
0x1a8: {  	v13 =	vsub.f32 v25, v33;
	v25 =	vsub.f32 v32, v17  }
0x1a9: {  	v23 =	vsub.f32 v24, v31;
	v33 =	vadd.f32 v4, v5  }
0x1aa: {  	v0 =	vsub.f32 v0, v27;
	v12 =	vadd.f32 v13, v12  }
0x1ab: {  	v6 =	vmul.f32 v6, v41;
	v26 =	vsub.f32 v32, v25;
	v15 =	vsub.f32 v22, v25  }
0x1ac: {  	v22 =	vsub.f32 v24, v23;
	v16 =	vsub.f32 v32, v23  }
0x1ad: {  	v32 =	vmul.f32 v49, v51;
	v35 =	vadd.f32 v33, v6;
	v41 =	vsub.f32 v33, v5  }
0x1ae: {  	v23 =	vmul.f32 v49, v50;
	v3 =	vadd.f32 v11, v3;
	v13 =	vsub.f32 v17, v26  }
0x1af: {  	v25 =	vmul.f32 v54, v61;
	v61 =	vld [tilespmem:$0x1FE60];
	v22 =	vsub.f32 v31, v22;
	v49 =	vsub.f32 v35, v6  }
0x1b0: {  	v11 =	vsub.f32 v33, v41;
	v4 =	vsub.f32 v4, v41  }
0x1b1: {  	v14 =	vmul.f32 $2.500000000e-01, v32;
	v13 =	vadd.f32 v13, v15;
	v16 =	vadd.f32 v22, v16  }
0x1b2: {  	v22 =	vsub.f32 v18, v27;
	v50 =	vsub.f32 v35, v49  }
0x1b3: {  	v5 =	vsub.f32 v5, v11;
	v11 =	vadd.f32 v9, v35;
	vm12 =	vge.f32 v14, $1.000000000e+00  }
0x1b4: {  	vm13 =	vlt.f32 v14, v61;
	v12 =	vadd.f32 v13, v12;
	v34 =	vsub.f32 v10, v22  }
0x1b5: {  	v14 =	vmax.f32 v14, $0.0e+00;
	v13 =	vsub.f32 v33, v49;
	v6 =	vsub.f32 v6, v50  }
0x1b6: {  	v22 =	vand.u32 $0x7FFFFFFF, v52;
	v51 =	vsub.f32 v11, v9;
	v12 =	vadd.f32 v16, v12  }
0x1b7: {  	v4 =	vadd.f32 v5, v4;
	v5 =	vmul.f32 $2.500000000e-01, v23;
	v49 =	vmul.f32 $2.500000000e-01, v25  }
0x1b8: {  	v14 =	vmin.f32 v14, $1.000000000e+05;
	vm10 =	vgt.f32 v22, $9.999999930e-09;
	v12 =	vadd.f32 v12, v24  }
0x1b9: {  	v14 =	vtrunc.f32 v14;
	v0 =	vadd.f32 v34, v0;
	v22 =	vnsel vm10, $0x322BCC77, v52  }
0x1ba: {  	v6 =	vadd.f32 v6, v13;
	(erf) = vrcp.f32 v22;
	v22 =	vand.u32 $0x7FFFFFFF, v12  }
0x1bb: {  	v26 =	vsub.f32 v11, v51;
	vm1 =	vge.f32 v5, $1.000000000e+00;
	vm11 =	vgt.f32 v22, $9.999999930e-09  }
0x1bc: {  	vm2 =	vge.f32 v49, $1.000000000e+00;
	v14 =	vcvt.f32.s32 v14;
	v12 =	vnsel vm11, $0x322BCC77, v12  }
0x1bd: {  	vm0 =	vmand vm12, vm1;
	v0 =	vadd.f32 v0, v3;
	(erf) = vrcp.f32 v12  }
0x1be: {  	v24 =	vmul.f32 v54, v60;
	v60 =	vld [tilespmem:$0x1FE70];
	v4 =	vadd.f32 v6, v4;
	v6 =	vadd.f32 v8, v59  }
0x1bf: {  	v13 =	vsub.f32 v9, v26;
	vm0 =	vmand vm0, vm13;
	v0 =	vadd.f32 v0, v18  }
0x1c0: {  	v50 =	vmul.f32 $2.500000000e-01, v24;
	v33 =	vsub.f32 v6, v8;
	v24 =	vadd.f32 v56, v55  }
0x1c1: {  	v55 =	vlaneseq.u32;
	v56 =	vimm.s32 $0x0;
	v12 =	vsub.f32 v35, v51  }
0x1c2: {  	vm15 =	vge.f32 v50, $1.000000000e+00;
	vm3 =	vlt.f32 v50, v61;
	v17 =	vadd.f32 v57, v24  }
0x1c3: {  	vm14 =	vlt.f32 v5, v60;
	vm6 =	vlt.f32 v49, v60;
	v27 =	vadd.f32 v13, v12  }
0x1c4: {  	v5 =	vmax.f32 v5, $0.0e+00;
	v49 =	vmax.f32 v49, $0.0e+00;
	vm1 =	vmand vm14, vm0  }
0x1c5: {  	vm0 =	vmand vm15, vm2;
	v17 =	vadd.f32 v17, v53;
	v32 =	vpop (erf);
	v3 =	vadd.f32 v27, v4  }
0x1c6: {  	v5 =	vmin.f32 v5, $1.000000000e+05;
	v13 =	vsub.f32 v59, v33;
	vm0 =	vmand vm0, vm3;
	v34 =	vpop (erf)  }
0x1c7: {  	v3 =	vadd.f32 v3, v11;
	v2 =	vmul.f32 v34, v2;
	v0 =	vmul.f32 v34, v0  }
0x1c8: {  	v5 =	vtrunc.f32 v5;
	v4 =	vadd.f32 v63, v62;
	v11 =	vsub.f32 v6, v33  }
0x1c9: {  	v3 =	vmul.f32 v34, v3;
	v35 =	vshrl.u32 v2, $0x10;
	v41 =	vshrl.u32 v0, $0x10  }
0x1ca: {  	v11 =	vsub.f32 v8, v11;
	v51 =	vand.u32 $0x1, v35;
	v54 =	vand.u32 $0x1, v41  }
0x1cb: {  	v59 =	vshrl.u32 v3, $0x10;
	v2 =	vadd.s32 v51, v2;
	v0 =	vadd.s32 v54, v0  }
0x1cc: {  	v15 =	vand.u32 $0x1, v59;
	v2 =	vadd.s32 $0x7FFF, v2;
	v0 =	vadd.s32 $0x7FFF, v0  }
0x1cd: {  	v3 =	vadd.s32 v15, v3;
	v2 =	vand.u32 $0xFFFF0000, v2;
	v0 =	vand.u32 $0xFFFF0000, v0  }
0x1ce: {  	v3 =	vadd.s32 $0x7FFF, v3;
	v62 =	vmul.f32 v2, v1;
	v63 =	vmul.f32 v0, v48  }
0x1cf: {  	v4 =	vadd.f32 v4, v58;
	v11 =	vadd.f32 v11, v13;
	v3 =	vand.u32 $0xFFFF0000, v3  }
0x1d0: {  	v17 =	vmul.f32 v32, v17;
	v25 =	vmul.f32 v3, v47;
	v18 =	vadd.f32 v63, v62  }
0x1d1: {  	v14 =	vnsel vm1, $0x0, v14;
	v5 =	vcvt.f32.s32 v5;
	v4 =	vadd.f32 v11, v4  }
0x1d2: {  	vm0 =	vmand vm6, vm0;
	v17 =	vmul.f32 $2.500000000e-01, v17;
	v11 =	vadd.f32 v18, v25  }
0x1d3: {  	v5 =	vnsel vm1, $0x0, v5;
	v4 =	vadd.f32 v4, v6;
	v19 =	vsub.f32 v18, v63  }
0x1d4: {  	vm7 =	vge.f32 v17, $1.000000000e+00;
	v6 =	vsub.f32 v11, v25;
	v23 =	vadd.f32 v7, v11  }
0x1d5: {  	vm9 =	vlt.f32 v17, v61;
	v22 =	vsub.f32 v18, v19;
	v26 =	vsub.f32 v62, v19  }
0x1d6: {  	v17 =	vmax.f32 v17, $0.0e+00;
	v27 =	vsub.f32 v11, v6;
	v19 =	vsub.f32 v23, v7  }
0x1d7: {  	v4 =	vmul.f32 v32, v4;
	v16 =	vsub.f32 v63, v22;
	v6 =	vsub.f32 v18, v6  }
0x1d8: {  	v33 =	vmul.f32 v2, v36;
	v13 =	vsub.f32 v25, v27;
	v32 =	vsub.f32 v23, v19  }
0x1d9: {  	v57 =	vld [tilespmem:$0x1FFB0];
	v34 =	vmul.f32 v0, v46;
	v12 =	vadd.f32 v16, v26;
	v11 =	vsub.f32 v11, v19  }
0x1da: {  	v17 =	vmin.f32 v17, $1.000000000e+05;
	v35 =	vld [tilespmem:$0x1FDC0];
	v6 =	vadd.f32 v13, v6;
	v15 =	vsub.f32 v7, v32  }
0x1db: {  	v17 =	vtrunc.f32 v17;
	v59 =	vmax.f32 v50, $0.0e+00;
	v18 =	vadd.f32 v34, v33  }
0x1dc: {  	v54 =	vsel vm1, $0x1, v56;
	v11 =	vadd.f32 v15, v11;
	v6 =	vadd.f32 v6, v12  }
0x1dd: {  	v2 =	vmul.f32 v2, v40;
	v0 =	vmul.f32 v0, v37;
	v41 =	vsub.f32 v18, v34  }
0x1de: {  	v4 =	vmul.f32 $2.500000000e-01, v4;
	v6 =	vadd.f32 v11, v6;
	v11 =	vmul.f32 v3, v39  }
0x1df: {  	v36 =	vsub.f32 v35, v57;
	v35 =	vmul.u32 $0x2, v55;
	v19 =	vsub.f32 v18, v41  }
0x1e0: {  	v1 =	vmin.f32 v49, $1.000000000e+05;
	vm8 =	vge.f32 v4, $1.000000000e+00;
	v46 =	vadd.f32 v18, v11  }
0x1e1: {  	v47 =	vor.u32 $0x1, v35;
	v16 =	vsub.f32 v34, v19;
	v19 =	vadd.f32 v0, v2  }
0x1e2: {  	v13 =	vsub.f32 v33, v41;
	v3 =	vmul.f32 v3, v44;
	v22 =	vsub.f32 v46, v11  }
0x1e3: {  	vm10 =	vlt.f32 v4, v60;
	v62 =	vsub.f32 v19, v0;
	v6 =	vadd.f32 v6, v23  }
0x1e4: {  	vm2 =	vmand vm7, vm8;
	v25 =	vld [tilespmem:$0x1FDD0];
	v63 =	vadd.f32 v19, v3;
	v23 =	vsub.f32 v46, v22  }
0x1e5: {  	v26 =	vld [tilespmem:$0x1FDE0];
	v41 =	vmin.f32 v59, $1.000000000e+05;
	v18 =	vsub.f32 v18, v22;
	v22 =	vsub.f32 v19, v62  }
0x1e6: {  	v41 =	vtrunc.f32 v41;
	v13 =	vadd.f32 v16, v13;
	v24 =	vadd.f32 v21, v63  }
0x1e7: {  	v12 =	vnsel vm1, $0x0, v36;
	v0 =	vsub.f32 v0, v22;
	v22 =	vsub.f32 v63, v3  }
0x1e8: {  	v36 =	vmul.u32 $0x3, v55;
	v2 =	vsub.f32 v2, v62;
	v11 =	vsub.f32 v11, v23  }
0x1e9: {  	v33 =	vld [tilespmem:$0x1FDF0];
	v37 =	vnsel vm1, $0x0, v25;
	v23 =	vsub.f32 v24, v21;
	v27 =	vsub.f32 v63, v22  }
0x1ea: {  	s26 =	sadd.s32 $0x20, s17;
	v51 =	vnsel vm1, $0x0, v26;
	v0 =	vadd.f32 v0, v2;
	v19 =	vsub.f32 v19, v22  }
0x1eb: {  	v26 =	vor.u32 s26, v35;
	v22 =	vsub.f32 v24, v23;
	v2 =	vsub.f32 v3, v27  }
0x1ec: {  	v58 =	vadd.s32 $0x2, v36;
	v34 =	vadd.f32 v8, v46;
	v23 =	vsub.f32 v63, v23  }
0x1ed: {  	v39 =	vcvt.f32.s32 v17;
	v22 =	vsub.f32 v21, v22;
	v2 =	vadd.f32 v2, v19  }
0x1ee: {  	v53 =	vnsel vm1, $0x0, v33;
	v48 =	vadd.f32 v11, v18;
	v19 =	vsub.f32 v34, v8  }
0x1ef: {  	v18 =	vor.u32 s17, v35;
	v22 =	vadd.f32 v22, v23;
	v0 =	vadd.f32 v2, v0  }
0x1f0: {  	vm1 =	vmand vm2, vm9;
	v63 =	vcvt.f32.s32 v41;
	v11 =	vsub.f32 v34, v19  }
0x1f1: {  	s25 =	sadd.s32 $0xFFFFFF70, s16;
	v23 =	vor.u32 s17, v47;
	v15 =	vsub.f32 v46, v19;
	v0 =	vadd.f32 v22, v0  }
0x1f2: {  	s20 =	sadd.s32 $0x40, s17;
	v19 =	vor.u32 s25, v36;
	v2 =	vadd.f32 v48, v13;
	v11 =	vsub.f32 v8, v11  }
0x1f3: {  	v46 =	vor.u32 s20, v35;
	v22 =	vadd.s32 $0x1, v36;
	v0 =	vadd.f32 v0, v24  }
0x1f4: {  	[tilespmem:v18+s12+$0x0] =	vst.idx.msk $0xffff, v14;
	v13 =	vnsel vm0, $0x0, v63;
	v55 =	vor.u32 s25, v22;
	v11 =	vadd.f32 v11, v15  }
0x1f5: {  	v25 =	vor.u32 s25, v58;
	vm1 =	vmand vm10, vm1;
	[tilespmem:v26+s12+$0x0] =	vst.idx.msk $0xffff, v13;
	v62 =	vand.u32 $0x7FFFFFFF, v0  }
0x1f6: {  	[tilespmem:v23+s12+$0x0] =	vst.idx.msk $0xffff, v5;
	v2 =	vadd.f32 v11, v2;
	v11 =	vor.u32 $0x21, v35;
	vm11 =	vgt.f32 v62, $9.999999930e-09  }
0x1f7: {  	v14 =	vnsel vm1, $0x0, v39;
	[tilespmem:v19+s13+$0x0] =	vst.idx.msk $0xffff, v37;
	v11 =	vor.u32 s26, v11;
	v24 =	vnsel vm11, $0x322BCC77, v0  }
0x1f8: {  	s28 =	sadd.s32 $0xFFFFFFA0, s16;
	v4 =	vmax.f32 v4, $0.0e+00;
	v33 =	vld [tilespmem:$0x1FE00];
	v41 =	vtrunc.f32 v1;
	[tilespmem:v46+s12+$0x0] =	vst.idx.msk $0xffff, v14;
	(erf) = vrcp.f32 v24  }
0x1f9: {  	v41 =	vcvt.f32.s32 v41;
	v27 =	vadd.s32 s28, v36;
	v2 =	vadd.f32 v2, v34;
	[tilespmem:v55+s13+$0x0] =	vst.idx.msk $0xffff, v51;
	v34 =	vld [tilespmem:$0x1FE10]  }
0x1fa: {  	s29 =	sshra.s32 s18, $0x2;
	v4 =	vmin.f32 v4, $1.000000000e+05;
	v48 =	vor.u32 $0x41, v35;
	v32 =	vadd.s32 s28, v22;
	[tilespmem:v25+s13+$0x0] =	vst.idx.msk $0xffff, v53  }
0x1fb: {  	v4 =	vtrunc.f32 v4;
	v5 =	vnsel vm0, $0x0, v41;
	v41 =	vld [tilespmem:$0x1FE20];
	[tilespmem:s29+$0x3D80] =	vst v12;
	v12 =	vor.u32 s20, v48  }
0x1fc: {  	s30 =	sadd.s32 $0xFFFFFFD0, s16;
	v49 =	vld [tilespmem:$0x1FE30];
	v4 =	vcvt.f32.s32 v4;
	[tilespmem:v11+s12+$0x0] =	vst.idx.msk $0xffff, v5;
	v5 =	vadd.s32 s28, v58  }
0x1fd: {  	v19 =	vnsel vm0, $0x0, v33;
	[tilespmem:s29+$0x6500] =	vst v54;
	v11 =	vsub.f32 v52, v57;
	v52 =	vadd.s32 s30, v36  }
0x1fe: {  	v51 =	vld [tilespmem:$0x1FE40];
	v37 =	vnsel vm0, $0x0, v34;
	[tilespmem:v27+s13+$0x0] =	vst.idx.msk $0xffff, v19  }
0x1ff: {  	v4 =	vnsel vm1, $0x0, v4;
	v23 =	vadd.s32 s30, v22;
	v53 =	vld [tilespmem:$0x1FE50];
	[tilespmem:v32+s13+$0x0] =	vst.idx.msk $0xffff, v37  }
0x200: {  	v45 =	vsub.f32 v45, v57;
	v44 =	vnsel vm0, $0x0, v41;
	v54 =	vadd.s32 s30, v58;
	[tilespmem:v12+s12+$0x0] =	vst.idx.msk $0xffff, v4  }
0x201: {  	v50 =	vnsel vm1, $0x0, v49;
	[tilespmem:v5+s13+$0x0] =	vst.idx.msk $0xffff, v44;
	v47 =	vpop (erf)  }
0x202: {  	s31 =	sadd.s32 $0x60, s17;
	v18 =	vnsel vm0, $0x0, v45;
	[tilespmem:v52+s13+$0x0] =	vst.idx.msk $0xffff, v50;
	v6 =	vmul.f32 v47, v6;
	v2 =	vmul.f32 v47, v2  }
0x203: {  	v45 =	vsel vm0, $0x1, v56;
	v55 =	vor.u32 s31, v35;
	v19 =	vnsel vm1, $0x0, v51;
	[tilespmem:s29+$0x3D90] =	vst v18  }
0x204: {  	[tilespmem:v23+s13+$0x0] =	vst.idx.msk $0xffff, v19;
	v5 =	vmul.f32 $2.500000000e-01, v6;
	v2 =	vmul.f32 $2.500000000e-01, v2;
	v6 =	vnsel vm1, $0x0, v53  }
0x205: {  	v11 =	vnsel vm1, $0x0, v11;
	v18 =	vsel vm1, $0x1, v56;
	[tilespmem:v54+s13+$0x0] =	vst.idx.msk $0xffff, v6;
	v6 =	vadd.s32 s16, v36  }
0x206: {  	vm12 =	vge.f32 v5, $1.000000000e+00;
	vm13 =	vge.f32 v2, $1.000000000e+00;
	vm14 =	vlt.f32 v5, v61  }
0x207: {  	v5 =	vmax.f32 v5, $0.0e+00;
	vm15 =	vlt.f32 v2, v60;
	v2 =	vmax.f32 v2, $0.0e+00  }
0x208: {  	vm0 =	vmand vm12, vm13;
	v4 =	vmin.f32 v5, $1.000000000e+05;
	v5 =	vor.u32 $0x61, v35  }
0x209: {  	v2 =	vmin.f32 v2, $1.000000000e+05;
	v4 =	vtrunc.f32 v4;
	v5 =	vor.u32 s31, v5  }
0x20a: {  	[tilespmem:s29+$0x6510] =	vst v45;
	vm0 =	vmand vm0, vm14;
	v2 =	vtrunc.f32 v2;
	v4 =	vcvt.f32.s32 v4  }
0x20b: {  	[tilespmem:s29+$0x3DA0] =	vst v11;
	v11 =	vadd.s32 s16, v22;
	vm0 =	vmand vm15, vm0;
	v2 =	vcvt.f32.s32 v2  }
0x20c: {  	v58 =	vadd.s32 s16, v58;
	[tilespmem:s29+$0x6520] =	vst v18;
	v4 =	vnsel vm0, $0x0, v4  }
0x20d: {  	s15 =	sadd.s32 $0x4, s15;
	v2 =	vnsel vm0, $0x0, v2;
	[tilespmem:v55+s12+$0x0] =	vst.idx.msk $0xffff, v4  }
0x20e: {  	p1 =	slt.u32 s15, $0x98;
	v59 =	vnsel vm0, $0x0, v42;
	[tilespmem:v5+s12+$0x0] =	vst.idx.msk $0xffff, v2  }
.Ltmp0:
0x20f: {  	v0 =	vsub.f32 v0, v57;
	v61 =	vnsel vm0, $0x0, v43;
	[tilespmem:v6+s13+$0x0] =	vst.idx.msk $0xffff, v59;
	(pc) =	sbr.rel @p1 .LBB2_2-.Ltmp0, $4  }
0x210: {  	v62 =	vnsel vm0, $0x0, v38;
	[tilespmem:v11+s13+$0x0] =	vst.idx.msk $0xffff, v61  }
0x211: {  	v0 =	vnsel vm0, $0x0, v0;
	[tilespmem:v58+s13+$0x0] =	vst.idx.msk $0xffff, v62  }
0x212: {  	v40 =	vld [tilespmem:$0x1FFE0];
	v63 =	vsel vm0, $0x1, v56;
	[tilespmem:s29+$0x3DB0] =	vst v0  }
0x213: {  	s18 =	sadd.s32 $0x100, s18;
	s17 =	sadd.s32 $0x80, s17;
	v23 =	vimm.s32 $0x0;
	v60 =	vld [tilespmem:$0x1FFF0];
	s16 =	sadd.s32 $0xC0, s16;
	[tilespmem:s29+$0x6530] =	vst v63  }
0x214: {  	_ =	sdelay $0x3  }
0x215: {  	v0 =	vor.u32 $0x2702, v60  }
0x216: {  	v2 =	vor.u32 $0x2703, v60;
	_ =	sdelay $0x2  }
0x217: {  	v3 =	vor.u32 $0x2701, v60  }
0x218: {  	v38 =	vld.idx.msk [tilespmem:v0+s2+$0x0], $0xffff  }
0x219: {  	v39 =	vld.idx.msk [tilespmem:v2+s2+$0x0], $0xffff;
	_ =	sdelay $0x2  }
0x21a: {  	v37 =	vld.idx.msk [tilespmem:v3+s2+$0x0], $0xffff;
	_ =	sdelay $0x1  }
0x21b: {  	v42 =	vcvt.s32.f32 v39;
	v43 =	vcvt.s32.f32 v38;
	_ =	sdelay $0x1  }
0x21c: {  	v44 =	vshrl.u32 v42, $0x10;
	v4 =	vshrl.u32 v43, $0x10  }
0x21d: {  	v5 =	vcvt.s32.f32 v37;
	v3 =	vand.u32 $0x1, v44;
	v4 =	vand.u32 $0x1, v4  }
0x21e: {  	v0 =	vadd.s32 v3, v42;
	v2 =	vadd.s32 v4, v43  }
0x21f: {  	v45 =	vshrl.u32 v5, $0x10;
	v0 =	vadd.s32 $0x7FFF, v0;
	v2 =	vadd.s32 $0x7FFF, v2  }
0x220: {  	v3 =	vand.u32 $0x1, v45;
	v0 =	vand.u32 $0xFFFF0000, v0;
	v2 =	vand.u32 $0xFFFF0000, v2  }
0x221: {  	v3 =	vadd.s32 v3, v5;
	v0 =	vmul.f32 $2.001953130e-01, v0;
	v2 =	vmul.f32 $2.001953130e-01, v2  }
0x222: {  	v1 =	vld [tilespmem:$0x1FE80];
	v3 =	vadd.s32 $0x7FFF, v3  }
0x223: {  	v50 =	vld [tilespmem:$0x1FE90];
	v3 =	vand.u32 $0xFFFF0000, v3;
	v0 =	vadd.f32 $0.0e+00, v0;
	v2 =	vadd.f32 $-4.000000000e+01, v2  }
0x224: {  	v56 =	vld [tilespmem:$0x1FEB0];
	v3 =	vmul.f32 $4.003906250e-01, v3  }
0x225: {  	v58 =	vld [tilespmem:$0x1FEC0];
	v46 =	vshrl.u32 v0, $0x10;
	v47 =	vshrl.u32 v2, $0x10  }
0x226: {  	v62 =	vld [tilespmem:$0x1FF10];
	v3 =	vadd.f32 $-3.000000000e+00, v3;
	v4 =	vand.u32 $0x1, v46;
	v5 =	vand.u32 $0x1, v47  }
0x227: {  	v22 =	vld [tilespmem:$0x1FF20];
	v0 =	vadd.s32 v4, v0;
	v2 =	vadd.s32 v5, v2  }
0x228: {  	v52 =	vld [tilespmem:$0x1FEA0];
	v48 =	vshrl.u32 v3, $0x10;
	v0 =	vadd.s32 $0x7FFF, v0;
	v2 =	vadd.s32 $0x7FFF, v2  }
0x229: {  	v25 =	vld [tilespmem:$0x1FF30];
	v4 =	vand.u32 $0x1, v48;
	v0 =	vand.u32 $0xFFFF0000, v0;
	v2 =	vand.u32 $0xFFFF0000, v2  }
0x22a: {  	v34 =	vld [tilespmem:$0x1FED0];
	v3 =	vadd.s32 v4, v3;
	v49 =	vmul.f32 v0, v1;
	v51 =	vmul.f32 v2, v50  }
0x22b: {  	v3 =	vadd.s32 $0x7FFF, v3;
	v57 =	vmul.f32 v0, v56;
	v59 =	vmul.f32 v2, v58  }
0x22c: {  	v3 =	vand.u32 $0xFFFF0000, v3;
	v63 =	vmul.f32 v0, v62;
	v17 =	vmul.f32 v2, v22  }
0x22d: {  	v6 =	vmul.f32 v3, v52;
	v11 =	vadd.f32 v49, v51  }
0x22e: {  	v26 =	vmul.f32 v3, v25;
	v61 =	vadd.f32 v57, v59;
	v18 =	vadd.f32 v63, v17  }
0x22f: {  	v41 =	vmul.f32 v3, v34;
	v12 =	vadd.f32 v11, v6;
	v13 =	vsub.f32 v11, v51  }
0x230: {  	v24 =	vsub.f32 v61, v59;
	v19 =	vadd.f32 v18, v26  }
0x231: {  	v28 =	vsub.f32 v18, v17;
	v43 =	vadd.f32 v61, v41  }
0x232: {  	v14 =	vsub.f32 v12, v6;
	v15 =	vsub.f32 v11, v13  }
0x233: {  	v16 =	vadd.f32 v20, v12;
	v4 =	vsub.f32 v49, v13  }
0x234: {  	v27 =	vsub.f32 v61, v24;
	v29 =	vsub.f32 v19, v26  }
0x235: {  	v30 =	vsub.f32 v18, v28;
	v22 =	vadd.f32 v31, v19  }
0x236: {  	v45 =	vsub.f32 v43, v41;
	v46 =	vadd.f32 v10, v43  }
0x237: {  	v53 =	vsub.f32 v12, v14;
	v5 =	vsub.f32 v51, v15  }
0x238: {  	v54 =	vsub.f32 v16, v20;
	v11 =	vsub.f32 v11, v14  }
0x239: {  	v32 =	vsub.f32 v19, v29;
	v17 =	vsub.f32 v17, v30  }
0x23a: {  	v33 =	vsub.f32 v22, v31;
	v13 =	vsub.f32 v18, v29  }
0x23b: {  	v47 =	vsub.f32 v43, v45;
	v48 =	vsub.f32 v46, v10  }
0x23c: {  	v50 =	vld [tilespmem:$0x1FEF0];
	v14 =	vsub.f32 v61, v45;
	v6 =	vsub.f32 v6, v53  }
0x23d: {  	v49 =	vld [tilespmem:$0x1FEE0];
	v4 =	vadd.f32 v5, v4;
	v55 =	vsub.f32 v16, v54  }
0x23e: {  	v12 =	vsub.f32 v12, v54;
	v42 =	vsub.f32 v22, v33  }
0x23f: {  	v44 =	vsub.f32 v19, v33;
	v5 =	vsub.f32 v20, v55  }
0x240: {  	v52 =	vld [tilespmem:$0x1FF00];
	v6 =	vadd.f32 v6, v11;
	v11 =	vsub.f32 v63, v28  }
0x241: {  	v2 =	vmul.f32 v2, v50;
	v5 =	vadd.f32 v5, v12;
	v12 =	vsub.f32 v26, v32  }
0x242: {  	v51 =	vsub.f32 v46, v48;
	v0 =	vmul.f32 v0, v49;
	v11 =	vadd.f32 v17, v11  }
0x243: {  	v17 =	vsub.f32 v31, v42;
	v12 =	vadd.f32 v12, v13  }
0x244: {  	v54 =	vsub.f32 v10, v51;
	v53 =	vadd.f32 v0, v2  }
0x245: {  	v3 =	vmul.f32 v3, v52;
	v17 =	vadd.f32 v17, v44;
	v11 =	vadd.f32 v12, v11  }
0x246: {  	v4 =	vadd.f32 v6, v4;
	v6 =	vsub.f32 v57, v24  }
0x247: {  	v56 =	vadd.f32 v53, v3;
	v11 =	vadd.f32 v17, v11  }
0x248: {  	v57 =	vsub.f32 v53, v2;
	v4 =	vadd.f32 v5, v4  }
0x249: {  	v5 =	vsub.f32 v59, v27;
	v11 =	vadd.f32 v11, v22  }
0x24a: {  	v58 =	vsub.f32 v56, v3;
	v59 =	vsub.f32 v53, v57  }
0x24b: {  	v61 =	vadd.f32 v9, v56;
	v0 =	vsub.f32 v0, v57;
	v55 =	vand.u32 $0x7FFFFFFF, v11  }
0x24c: {  	v5 =	vadd.f32 v5, v6;
	v6 =	vsub.f32 v41, v47;
	vm0 =	vgt.f32 v55, $9.999999930e-09  }
0x24d: {  	v12 =	vsub.f32 v43, v48;
	v62 =	vsub.f32 v56, v58;
	v11 =	vnsel vm0, $0x322BCC77, v11  }
0x24e: {  	v2 =	vsub.f32 v2, v59;
	v63 =	vsub.f32 v61, v9;
	(erf) = vrcp.f32 v11  }
0x24f: {  	v6 =	vadd.f32 v6, v14;
	v10 =	vadd.f32 v54, v12  }
0x250: {  	v3 =	vsub.f32 v3, v62;
	v15 =	vsub.f32 v61, v63  }
0x251: {  	v5 =	vadd.f32 v6, v5;
	v6 =	vsub.f32 v53, v58  }
0x252: {  	v0 =	vadd.f32 v2, v0;
	v18 =	vsub.f32 v56, v63  }
0x253: {  	v19 =	vsub.f32 v9, v15;
	v17 =	vadd.f32 v3, v6  }
0x254: {  	v5 =	vadd.f32 v10, v5  }
0x255: {  	v3 =	vadd.f32 v19, v18;
	v0 =	vadd.f32 v17, v0  }
0x256: {  	v4 =	vadd.f32 v4, v16;
	v5 =	vadd.f32 v5, v46  }
0x257: {  	v30 =	vld [tilespmem:$0x1FF40];
	v0 =	vadd.f32 v3, v0;
	v22 =	vpop (erf)  }
0x258: {  	v32 =	vld [tilespmem:$0x1FF50];
	v4 =	vmul.f32 v22, v4;
	v5 =	vmul.f32 v22, v5  }
0x259: {  	v48 =	vld [tilespmem:$0x1FFC0];
	v0 =	vadd.f32 v0, v61  }
0x25a: {  	v46 =	vld [tilespmem:$0x1FFA0];
	v24 =	vshrl.u32 v4, $0x10;
	v25 =	vshrl.u32 v5, $0x10  }
0x25b: {  	v0 =	vmul.f32 v22, v0;
	v22 =	vld [tilespmem:$0x1FF70];
	v3 =	vand.u32 $0x1, v24;
	v6 =	vand.u32 $0x1, v25  }
0x25c: {  	v25 =	vld [tilespmem:$0x1FF80];
	v3 =	vadd.s32 v3, v4;
	v26 =	vadd.s32 v6, v5  }
0x25d: {  	v51 =	vld [tilespmem:$0x1FFD0];
	v3 =	vadd.s32 $0x7FFF, v3;
	v4 =	vadd.s32 $0x7FFF, v26  }
0x25e: {  	v42 =	vld [tilespmem:$0x1FF60];
	v29 =	vshrl.u32 v0, $0x10;
	v27 =	vand.u32 $0xFFFF0000, v3;
	v28 =	vand.u32 $0xFFFF0000, v4  }
0x25f: {  	v4 =	vand.u32 $0x1, v29;
	v31 =	vmul.f32 v27, v30;
	v33 =	vmul.f32 v28, v32  }
0x260: {  	v0 =	vadd.s32 v4, v0;
	v47 =	vmul.f32 v27, v46;
	v49 =	vmul.f32 v28, v48  }
0x261: {  	v2 =	vmul.f32 v27, v22;
	v0 =	vadd.s32 $0x7FFF, v0;
	v3 =	vmul.f32 v28, v25  }
0x262: {  	v34 =	vadd.f32 v33, v31;
	v0 =	vand.u32 $0xFFFF0000, v0;
	v53 =	vadd.f32 v49, v47  }
0x263: {  	v30 =	vld [tilespmem:$0x1FF90];
	v43 =	vmul.f32 v0, v42;
	v52 =	vmul.f32 v0, v51;
	v29 =	vadd.f32 v3, v2  }
0x264: {  	v41 =	vsub.f32 v34, v33;
	v56 =	vsub.f32 v53, v49  }
0x265: {  	v45 =	vadd.f32 v34, v43;
	v55 =	vadd.f32 v53, v52  }
0x266: {  	v44 =	vsub.f32 v34, v41;
	v5 =	vsub.f32 v31, v41  }
0x267: {  	v58 =	vsub.f32 v53, v56;
	v9 =	vsub.f32 v47, v56  }
0x268: {  	v0 =	vmul.f32 v0, v30;
	v50 =	vsub.f32 v45, v43;
	v57 =	vsub.f32 v55, v52  }
0x269: {  	v59 =	vadd.f32 v21, v55;
	v63 =	vadd.f32 v7, v45  }
0x26a: {  	v32 =	vadd.f32 v29, v0;
	v6 =	vsub.f32 v33, v44  }
0x26b: {  	v61 =	vsub.f32 v55, v57;
	v62 =	vsub.f32 v59, v21  }
0x26c: {  	v14 =	vsub.f32 v49, v58;
	v10 =	vsub.f32 v53, v57  }
0x26d: {  	v11 =	vsub.f32 v52, v61;
	v24 =	vsub.f32 v59, v62  }
0x26e: {  	v9 =	vadd.f32 v14, v9;
	v26 =	vsub.f32 v55, v62  }
0x26f: {  	v10 =	vadd.f32 v11, v10;
	v27 =	vsub.f32 v21, v24  }
0x270: {  	v54 =	vsub.f32 v45, v50;
	v4 =	vsub.f32 v34, v50  }
0x271: {  	v11 =	vadd.f32 v27, v26;
	v9 =	vadd.f32 v10, v9  }
0x272: {  	v28 =	vsub.f32 v63, v7;
	v34 =	vsub.f32 v29, v3  }
0x273: {  	v41 =	vsub.f32 v32, v0;
	v9 =	vadd.f32 v11, v9  }
0x274: {  	v5 =	vadd.f32 v6, v5;
	v6 =	vsub.f32 v43, v54  }
0x275: {  	v31 =	vsub.f32 v63, v28;
	v9 =	vadd.f32 v9, v59  }
0x276: {  	v33 =	vsub.f32 v45, v28;
	v42 =	vsub.f32 v29, v34  }
0x277: {  	v43 =	vadd.f32 v8, v32;
	v2 =	vsub.f32 v2, v34;
	v18 =	vand.u32 $0x7FFFFFFF, v9  }
0x278: {  	v44 =	vsub.f32 v32, v41;
	v14 =	vsub.f32 v29, v41;
	vm13 =	vgt.f32 v18, $9.999999930e-09  }
0x279: {  	v4 =	vadd.f32 v6, v4;
	v45 =	vsub.f32 v43, v8;
	v46 =	vnsel vm13, $0x322BCC77, v9  }
0x27a: {  	v3 =	vsub.f32 v3, v42;
	v0 =	vsub.f32 v0, v44;
	(erf) = vrcp.f32 v46  }
0x27b: {  	v6 =	vsub.f32 v7, v31;
	v47 =	vsub.f32 v43, v45  }
0x27c: {  	v2 =	vadd.f32 v3, v2;
	v0 =	vadd.f32 v0, v14  }
0x27d: {  	v48 =	vsub.f32 v32, v45;
	v7 =	vsub.f32 v8, v47  }
0x27e: {  	v6 =	vadd.f32 v6, v33;
	v4 =	vadd.f32 v4, v5  }
0x27f: {  	v0 =	vadd.f32 v0, v2;
	v3 =	vadd.f32 v7, v48  }
0x280: {  	v49 =	vadd.f32 v6, v4  }
0x281: {  	v0 =	vadd.f32 v3, v0  }
0x282: {  	v2 =	vadd.f32 v49, v63  }
0x283: {  	v0 =	vadd.f32 v0, v43;
	v50 =	vpop (erf)  }
0x284: {  	v51 =	vld [tilespmem:$0x1FE60];
	v2 =	vmul.f32 v50, v2  }
0x285: {  	v52 =	vld [tilespmem:$0x1FE70];
	v0 =	vmul.f32 v50, v0  }
0x286: {  	v2 =	vmul.f32 $2.500000000e-01, v2  }
0x287: {  	v53 =	vor.u32 $0x1380, v35;
	v0 =	vmul.f32 $2.500000000e-01, v0  }
0x288: {  	v54 =	vor.u32 $0x1381, v35;
	v55 =	vor.u32 $0x1D40, v36;
	vm14 =	vge.f32 v2, $1.000000000e+00  }
0x289: {  	vm1 =	vge.f32 v0, $1.000000000e+00;
	vm2 =	vlt.f32 v2, v51;
	v2 =	vmax.f32 v2, $0.0e+00  }
0x28a: {  	vm15 =	vlt.f32 v0, v52;
	v0 =	vmax.f32 v0, $0.0e+00;
	v2 =	vmin.f32 v2, $1.000000000e+05  }
0x28b: {  	vm0 =	vmand vm14, vm1;
	v0 =	vmin.f32 v0, $1.000000000e+05;
	v2 =	vtrunc.f32 v2  }
0x28c: {  	v59 =	vld [tilespmem:$0x1FFB0];
	vm0 =	vmand vm0, vm2;
	v0 =	vtrunc.f32 v0;
	v2 =	vcvt.f32.s32 v2  }
0x28d: {  	v56 =	vadd.s32 $0x1D41, v36;
	vm0 =	vmand vm15, vm0;
	v0 =	vcvt.f32.s32 v0  }
0x28e: {  	v57 =	vadd.s32 $0x1D42, v36;
	v2 =	vnsel vm0, $0x0, v2  }
0x28f: {  	v0 =	vnsel vm0, $0x0, v0;
	[tilespmem:v53+s12+$0x0] =	vst.idx.msk $0xffff, v2  }
0x290: {  	v58 =	vnsel vm0, $0x0, v39;
	[tilespmem:v54+s12+$0x0] =	vst.idx.msk $0xffff, v0  }
0x291: {  	v61 =	vnsel vm0, $0x0, v38;
	v0 =	vsub.f32 v9, v59;
	[tilespmem:v55+s13+$0x0] =	vst.idx.msk $0xffff, v58  }
0x292: {  	v62 =	vnsel vm0, $0x0, v37;
	[tilespmem:v56+s13+$0x0] =	vst.idx.msk $0xffff, v61  }
0x293: {  	v0 =	vnsel vm0, $0x0, v0;
	[tilespmem:v57+s13+$0x0] =	vst.idx.msk $0xffff, v62  }
0x294: {  	v63 =	vsel vm0, $0x1, v23;
	[tilespmem:$0x4740] =	vst v0  }
0x295: {  	s15 =	simm.s32 @p0 $0x0;
	s16 =	simm.s32 @p0 $0x2980;
	[tilespmem:$0x6EC0] =	vst v63  }
0x296: {  	[hbm4b:s6+s15] =	stream.linear.scatter @p0 [tilespmem:s16], [sflag:$0x1], $0x12E0, $0x38;
	[tilespmem:$0x6F00] =	vst v63  }
0x297: {  	s16 =	simm.s32 @p0 $0x1  }
0x298: {  	_ =	swait.ge @p0 [sflag:s16], $0x12E0  }
0x299: {  	[sflag:s16] =	ssyncset.done @p0 $0x0  }
0x29a: {  	s17 =	simm.s32 @p0 $0x4780;
	[sflag:s16] =	ssyncadd.s32 @p0 $0xFFFFED20  }
0x29b: {  	[hbm4b:s7+s15] =	stream.linear.scatter @p0 [tilespmem:s17], [sflag:$0x1], $0x1C50, $0x38;
	[tilespmem:$0x6F00] =	vst v63  }
0x29c: {  	_ =	swait.ge @p0 [sflag:s16], $0x1C50  }
0x29d: {  	[sflag:s16] =	ssyncset.done @p0 $0x0  }
0x29e: {  	s17 =	simm.s32 @p0 $0x3D80;
	[sflag:s16] =	ssyncadd.s32 @p0 $0xFFFFE3B0  }
0x29f: {  	[hbm4b:s8+s15] =	stream.linear.scatter @p0 [tilespmem:s17], [sflag:$0x1], $0x970, $0x38;
	[tilespmem:$0x6F00] =	vst v63  }
0x2a0: {  	_ =	swait.ge @p0 [sflag:s16], $0x970  }
0x2a1: {  	[sflag:s16] =	ssyncset.done @p0 $0x0  }
0x2a2: {  	s17 =	simm.s32 @p0 $0x6500;
	[sflag:s16] =	ssyncadd.s32 @p0 $0xFFFFF690  }
0x2a3: {  	[hbm4b:s9+s15] =	stream.linear.scatter @p0 [tilespmem:s17], [sflag:$0x1], $0x970, $0x38;
	[tilespmem:$0x6F00] =	vst v63  }
0x2a4: {  	_ =	swait.ge @p0 [sflag:s16], $0x970  }
0x2a5: {  	[sflag:s16] =	ssyncset.done @p0 $0x0  }
0x2a6: {  	s15 =	simm.s32 @!p0 $0x0;
	[sflag:s16] =	ssyncadd.s32 @p0 $0xFFFFF690;
	s16 =	simm.s32 @!p0 $0x2980  }
0x2a7: {  	[hbm4b:s6+s15] =	stream.linear.scatter @!p0 [tilespmem:s16], [sflag:$0x1], $0x13A0, $0x38;
	[tilespmem:$0x6F00] =	vst v63  }
0x2a8: {  	s16 =	simm.s32 @!p0 $0x1  }
0x2a9: {  	_ =	swait.ge @!p0 [sflag:s16], $0x13A0  }
0x2aa: {  	[sflag:s16] =	ssyncset.done @!p0 $0x0  }
0x2ab: {  	s17 =	simm.s32 @!p0 $0x4780;
	[sflag:s16] =	ssyncadd.s32 @!p0 $0xFFFFEC60  }
0x2ac: {  	[hbm4b:s7+s15] =	stream.linear.scatter @!p0 [tilespmem:s17], [sflag:$0x1], $0x1D70, $0x38;
	[tilespmem:$0x6F00] =	vst v63  }
0x2ad: {  	_ =	swait.ge @!p0 [sflag:s16], $0x1D70  }
0x2ae: {  	[sflag:s16] =	ssyncset.done @!p0 $0x0  }
0x2af: {  	s17 =	simm.s32 @!p0 $0x3D80;
	[sflag:s16] =	ssyncadd.s32 @!p0 $0xFFFFE290  }
0x2b0: {  	[hbm4b:s8+s15] =	stream.linear.scatter @!p0 [tilespmem:s17], [sflag:$0x1], $0x9D0, $0x38;
	[tilespmem:$0x6F00] =	vst v63  }
0x2b1: {  	s14 =	sadd.s32 $0x1, s14;
	_ =	swait.ge @!p0 [sflag:s16], $0x9D0  }
0x2b2: {  	p1 =	sne.s32 s14, s10;
	[sflag:s16] =	ssyncset.done @!p0 $0x0  }
.Ltmp1:
0x2b3: {  	s17 =	simm.s32 @!p0 $0x6500;
	[sflag:s16] =	ssyncadd.s32 @!p0 $0xFFFFF630;
	(pc) =	sbr.rel @p1 .LBB2_1-.Ltmp1, $4  }
0x2b4: {  	[hbm4b:s9+s15] =	stream.linear.scatter @!p0 [tilespmem:s17], [sflag:$0x1], $0x9D0, $0x38;
	[tilespmem:$0x6F00] =	vst v63  }
0x2b5: {  	_ =	swait.ge @!p0 [sflag:s16], $0x9D0  }
0x2b6: {  	[sflag:s16] =	ssyncset.done @!p0 $0x0  }
0x2b7: {  	[sflag:s16] =	ssyncadd.s32 @!p0 $0xFFFFF630  }
0x2b8: {  	_ =	sfence.sel $0x180000  }
0x2b9: {  	[bflag:$0x0] =	sbarrier.arrive $0xFFFF  }
0x2ba: {  	p0 =	sne.s32 s0, $0x0;
	_ =	strace $0x90000047  }
0x2bb: {  	s0 =	sadd.s32 @!p0 $0x100000, s1;
	[bflag:$0x2] =	sbarrier.arrive $0xFFFF  }
0x2bc: {  	[sflag:s0] =	ssyncadd.tile.s32 @!p0 $0x1;
	_ =	shalt  }
.Lfunc_end2:
_tile_overlayer_lowered:
.L_overlay_start_2:
0x2bd: {  	(tag) =	ssettag $0x2  }
0x2be: {  	s0 =	rddreg [dreg:$0x0];
	s2 =	stileid.u32  }
0x2bf: {  	s1 =	rddreg [dreg:$0x1];
	p0 =	sne.s32 s2, $0x0  }
0x2c0: {  	s3 =	rddreg [dreg:$0x2];
	[bflag:$0x3] =	sbarrier.arrive $0xFFFF;
	s2 =	simm.s32 @!p0 $0x1C01  }
0x2c1: {  	[timem:s3], [sflag:s2] =	dma.local @!p0 [hbm:s0], s1  }
0x2c2: {  	s0 =	simm.s32 @!p0 $0x1  }
0x2c3: {  	_ =	swait.ge @!p0 [sflag:s0], s1  }
0x2c4: {  	s1 =	ssub.s32 @!p0 $0x0, s1;
	[sflag:s0] =	ssyncset.done @!p0 $0x0  }
0x2c5: {  	[sflag:s0] =	ssyncadd.s32 @!p0 s1  }
0x2c6: {  	[bflag:$0x3] =	sbarrier.arrive $0xFFFF  }
0x2c7: {  	_ =	shalt  }

</sc_bundles>
